<compile_context>
chip_gen: v7x
topology: tpu7x:2x2x1
jax: 0.10.2.dev20260603
libtpu: 0.0.44.dev20260713+nightly
codegen_flags: <defaults>
</compile_context>

<pallas_src>
import functools

import jax
import jax.numpy as jnp
from jax import lax
from jax.experimental import pallas as pl
from jax.experimental.pallas import tpu as pltpu
from jax.experimental.pallas import tpu_sc as plsc

CH = 128



def _deg_body(n_pad, chunks, rem_w, nc, ns, dst_hbm, ones_hbm, zeros_hbm,
              out_hbm, didx, ones_v, deg_sp):
    c = lax.axis_index("c")
    s = lax.axis_index("s")
    w = c * ns + s
    rpt = n_pad // ns
    stride = nc * ns * CH

    pltpu.sync_copy(zeros_hbm.at[pl.ds(s * rpt, rpt)],
                    deg_sp.at[pl.ds(s * rpt, rpt)])
    pltpu.sync_copy(ones_hbm, ones_v)
    plsc.subcore_barrier()

    def do_chunk(base):
        pltpu.sync_copy(dst_hbm.at[pl.ds(base, CH)], didx)
        pltpu.sync_copy(ones_v, deg_sp.at[didx], add=True)

    def chunk_body(j, _):
        do_chunk(j * stride + w * CH)
        return 0
    lax.fori_loop(0, chunks, chunk_body, 0)

    @pl.when(w < rem_w)
    def _():
        do_chunk(chunks * stride + w * CH)

    plsc.subcore_barrier()
    pltpu.sync_copy(deg_sp.at[pl.ds(s * rpt, rpt)],
                    out_hbm.at[c, pl.ds(s * rpt, rpt)])


def _conv_edge_body(n_pad, nchunks, ns, hh,
                    src_hbm, dst_hbm, lo_hbm, hi_hbm, zeros_hbm, out_hbm,
                    sidx, didx, rows, acc_sp, sem):
    c = lax.axis_index("c")
    s = lax.axis_index("s")
    rpt = n_pad // ns

    pltpu.sync_copy(zeros_hbm.at[pl.ds(s * rpt, rpt)],
                    acc_sp.at[pl.ds(s * rpt, rpt)])
    plsc.subcore_barrier()

    def edge_loop(tbl):
        def chunk_body(j, _):
            base = (j * ns + s) * CH
            pltpu.sync_copy(src_hbm.at[pl.ds(base, CH)], sidx)
            pltpu.sync_copy(dst_hbm.at[pl.ds(base, CH)], didx)
            pltpu.async_copy(tbl.at[sidx], rows, sem).wait()
            pltpu.sync_copy(rows, acc_sp.at[didx], add=True)
            return 0
        lax.fori_loop(0, nchunks, chunk_body, 0)

    @pl.when(c == 0)
    def _():
        edge_loop(lo_hbm)

    @pl.when(c == 1)
    def _():
        edge_loop(hi_hbm)

    plsc.subcore_barrier()
    pltpu.sync_copy(acc_sp.at[pl.ds(s * rpt, rpt)],
                    out_hbm.at[c, pl.ds(s * rpt, rpt)])


def _cls_gather_body(nchunks, nc, ns,
                     src_hbm, dst_hbm, a_hbm, b_hbm, ga_hbm, gb_hbm,
                     sidx, didx, buf, sem):
    c = lax.axis_index("c")
    s = lax.axis_index("s")
    w = c * ns + s

    def body(j, _):
        base = (j * nc * ns + w) * CH
        pltpu.sync_copy(src_hbm.at[pl.ds(base, CH)], sidx)
        pltpu.sync_copy(dst_hbm.at[pl.ds(base, CH)], didx)
        pltpu.async_copy(a_hbm.at[sidx], buf, sem).wait()
        pltpu.sync_copy(buf, ga_hbm.at[pl.ds(base, CH)])
        pltpu.async_copy(b_hbm.at[didx], buf, sem).wait()
        pltpu.sync_copy(buf, gb_hbm.at[pl.ds(base, CH)])
        return 0
    lax.fori_loop(0, nchunks, body, 0)



def _tc_mm_body(x_ref, w_ref, h_ref):
    h_ref[...] = jnp.dot(x_ref[...], w_ref[...],
                         preferred_element_type=jnp.float32)


def _tc_scale_body(dinv_ref, h_ref, lo_ref, hi_ref):
    hh = lo_ref.shape[1]
    hs = h_ref[...] * dinv_ref[...]
    lo_ref[...] = hs[:, :hh]
    hi_ref[...] = hs[:, hh:]


def _pack_bf16(a):
    hh = a.shape[1] // 2
    u1 = jax.lax.bitcast_convert_type(a[:, :hh], jnp.uint32) >> 16
    u2 = jax.lax.bitcast_convert_type(a[:, hh:], jnp.uint32) & jnp.uint32(0xFFFF0000)
    return jax.lax.bitcast_convert_type(u1 | u2, jnp.int32)


def _unpack_bf16(p):
    u = jax.lax.bitcast_convert_type(p, jnp.uint32)
    a1 = jax.lax.bitcast_convert_type(u << 16, jnp.float32)
    a2 = jax.lax.bitcast_convert_type(u & jnp.uint32(0xFFFF0000), jnp.float32)
    return a1, a2


def _tc_mid_body(dinv_ref, acc_ref, h_ref, b_ref, w_ref,
                 g_ref, lo_ref, hi_ref):
    hh = lo_ref.shape[1]
    dinv = dinv_ref[...]
    acc = jnp.concatenate([acc_ref[0], acc_ref[1]], axis=1)
    out1 = acc * dinv + h_ref[...] * (dinv * dinv) + b_ref[...]
    g = jnp.dot(out1, w_ref[...], preferred_element_type=jnp.float32)
    g_ref[...] = g
    hs = g * dinv
    lo_ref[...] = hs[:, :hh]
    hi_ref[...] = hs[:, hh:]


def _tc_fin_body(dinv_ref, acc_ref, h_ref, b_ref, wa_ref, wb_ref,
                 a_ref, bm_ref):
    dinv = dinv_ref[...]
    acc = jnp.concatenate([acc_ref[0], acc_ref[1]], axis=1)
    h2 = acc * dinv + h_ref[...] * (dinv * dinv) + b_ref[...]
    a_ref[...] = _pack_bf16(
        jnp.dot(h2, wa_ref[...], preferred_element_type=jnp.float32))
    bm_ref[...] = _pack_bf16(
        jnp.dot(h2, wb_ref[...], preferred_element_type=jnp.float32))


def _tc_mlp_body(ga_ref, gb_ref, ea_ref, wc_ref, bc1_ref, w2_ref, bc2_ref,
                 w3_ref, bc3_ref, out_ref):
    hh = ga_ref.shape[1]
    a1, a2 = _unpack_bf16(ga_ref[...])
    b1, b2 = _unpack_bf16(gb_ref[...])
    cc = jnp.dot(ea_ref[...], wc_ref[...], preferred_element_type=jnp.float32)
    cc = cc + bc1_ref[...]
    z1a = jnp.tanh(a1 + b1 + cc[:, :hh])
    z1b = jnp.tanh(a2 + b2 + cc[:, hh:])
    t = (jnp.dot(z1a, w2_ref[:hh], preferred_element_type=jnp.float32)
         + jnp.dot(z1b, w2_ref[hh:], preferred_element_type=jnp.float32)
         + bc2_ref[...])
    z2 = jnp.tanh(t)
    out_ref[...] = (jnp.dot(z2, w3_ref[...], preferred_element_type=jnp.float32)
                    + bc3_ref[...])



def kernel(x, edge_index, edge_attr, W1, b1, W2, b2,
           Wc1, bc1, Wc2, bc2, Wc3, bc3):
    f32 = jnp.float32
    N, D = x.shape
    E = edge_index.shape[1]
    H = W1.shape[1]
    HH = H // 2
    DE = edge_attr.shape[1]
    HC2 = Wc2.shape[1]

    info = plsc.get_sparse_core_info()
    NC, NS = info.num_cores, info.num_subcores

    NP = -(-N // (NS * 8)) * (NS * 8)

    src = edge_index[0]
    dst = edge_index[1]
    NRA = NC * NS * 8
    NR = -(-(E // CH) // NRA) * NRA
    EP = NR * CH
    src_p = jnp.concatenate([src, jnp.zeros((EP - E,), jnp.int32)])
    dst_p = jnp.concatenate([dst, jnp.full((EP - E,), N, jnp.int32)])
    zeros_nh = jnp.zeros((NP, HH), f32)
    b1r = b1.reshape(1, H)
    b2r = b2.reshape(1, H)
    bc1r = bc1.reshape(1, H)
    bc2r = bc2.reshape(1, HC2)
    bc3r = bc3.reshape(1, 1)
    Wc1a = Wc1[:H]
    Wc1b = Wc1[H:2 * H]
    Wc1c = Wc1[2 * H:]

    mesh = plsc.VectorSubcoreMesh(core_axis_name="c", subcore_axis_name="s")

    stride_all = NC * NS * CH
    full2 = E // stride_all
    rem2 = (E - full2 * stride_all) // CH

    DW = HH
    ones_rows = jnp.zeros((CH, DW), f32).at[:, 0].set(1.0)
    deg_parts = pl.kernel(
        functools.partial(_deg_body, NP, full2, rem2, NC, NS),
        mesh=mesh,
        out_type=jax.ShapeDtypeStruct((NC, NP, DW), f32),
        scratch_types=[
            pltpu.VMEM((CH,), jnp.int32),
            pltpu.VMEM((CH, DW), f32),
            pltpu.VMEM_SHARED((NP, DW), f32),
        ],
    )(dst, ones_rows, zeros_nh)

    deg = jnp.sum(deg_parts[:, :N, 0], axis=0) + 1.0
    dinv = lax.rsqrt(deg).reshape(N, 1)

    R = 1000
    grid = (N // R,)
    dinv_spec = pl.BlockSpec((R, 1), lambda i: (i, 0))
    row_spec = pl.BlockSpec((R, H), lambda i: (i, 0))
    half_spec = pl.BlockSpec((R, HH), lambda i: (i, 0))
    full_w = pl.BlockSpec((D, H), lambda i: (0, 0))
    bias_spec = pl.BlockSpec((1, H), lambda i: (0, 0))
    acc_spec = pl.BlockSpec((2, R, HH), lambda i: (0, i, 0))

    h1 = pl.pallas_call(
        _tc_mm_body,
        grid=grid,
        in_specs=[pl.BlockSpec((R, D), lambda i: (i, 0)), full_w],
        out_specs=row_spec,
        out_shape=jax.ShapeDtypeStruct((N, H), f32),
    )(x, W1)
    hs1_lo, hs1_hi = pl.pallas_call(
        _tc_scale_body,
        grid=grid,
        in_specs=[dinv_spec, row_spec],
        out_specs=[half_spec, half_spec],
        out_shape=[jax.ShapeDtypeStruct((N, HH), f32),
                   jax.ShapeDtypeStruct((N, HH), f32)],
    )(dinv, h1)

    rm1 = NR // NS

    conv_edge = pl.kernel(
        functools.partial(_conv_edge_body, NP, rm1, NS, HH),
        mesh=mesh,
        out_type=jax.ShapeDtypeStruct((2, NP, HH), f32),
        scratch_types=[
            pltpu.VMEM((CH,), jnp.int32),
            pltpu.VMEM((CH,), jnp.int32),
            pltpu.VMEM((CH, HH), f32),
            pltpu.VMEM_SHARED((NP, HH), f32),
            pltpu.SemaphoreType.DMA,
        ],
    )
    acc1 = conv_edge(src_p, dst_p, hs1_lo, hs1_hi, zeros_nh)

    g2, hs2_lo, hs2_hi = pl.pallas_call(
        _tc_mid_body,
        grid=grid,
        in_specs=[dinv_spec, acc_spec, row_spec, bias_spec, full_w],
        out_specs=[row_spec, half_spec, half_spec],
        out_shape=[jax.ShapeDtypeStruct((N, H), f32),
                   jax.ShapeDtypeStruct((N, HH), f32),
                   jax.ShapeDtypeStruct((N, HH), f32)],
    )(dinv, acc1, h1, b1r, W2)

    acc2 = conv_edge(src_p, dst_p, hs2_lo, hs2_hi, zeros_nh)

    A, Bm = pl.pallas_call(
        _tc_fin_body,
        grid=grid,
        in_specs=[dinv_spec, acc_spec, row_spec, bias_spec, full_w, full_w],
        out_specs=[half_spec, half_spec],
        out_shape=[jax.ShapeDtypeStruct((N, HH), jnp.int32),
                   jax.ShapeDtypeStruct((N, HH), jnp.int32)],
    )(dinv, acc2, g2, b2r, Wc1a, Wc1b)

    rm2 = NR // (NC * NS)
    ga, gb = pl.kernel(
        functools.partial(_cls_gather_body, rm2, NC, NS),
        mesh=mesh,
        out_type=[jax.ShapeDtypeStruct((EP, HH), jnp.int32),
                  jax.ShapeDtypeStruct((EP, HH), jnp.int32)],
        scratch_types=[
            pltpu.VMEM((CH,), jnp.int32),
            pltpu.VMEM((CH,), jnp.int32),
            pltpu.VMEM((CH, HH), jnp.int32),
            pltpu.SemaphoreType.DMA,
        ],
    )(src_p, dst_p, A, Bm)

    EB = 2000
    egrid = (E // EB,)
    logits = pl.pallas_call(
        _tc_mlp_body,
        grid=egrid,
        in_specs=[
            pl.BlockSpec((EB, HH), lambda i: (i, 0)),
            pl.BlockSpec((EB, HH), lambda i: (i, 0)),
            pl.BlockSpec((EB, DE), lambda i: (i, 0)),
            pl.BlockSpec((DE, H), lambda i: (0, 0)),
            pl.BlockSpec((1, H), lambda i: (0, 0)),
            pl.BlockSpec((H, HC2), lambda i: (0, 0)),
            pl.BlockSpec((1, HC2), lambda i: (0, 0)),
            pl.BlockSpec((HC2, 1), lambda i: (0, 0)),
            pl.BlockSpec((1, 1), lambda i: (0, 0)),
        ],
        out_specs=pl.BlockSpec((EB, 1), lambda i: (i, 0)),
        out_shape=jax.ShapeDtypeStruct((E, 1), f32),
    )(ga, gb, edge_attr, Wc1c, bc1r, Wc2, bc2r, Wc3, bc3r)

    return logits

# --- scband reference (transcript-rebuilt; emitter-appended) ---
"""Pipeline reference for scband-edge-classification-gnn-41875931136395 (READ-ONLY COPY).

The authoritative reference and input builder live on the scoring server;
editing this copy changes nothing except your own understanding.
"""

import jax, jax.numpy as jnp
import numpy as np

N = 10000
E = 160000
D = 256   # node_feat_dim
H = 256   # hidden_dim
DE = 16   # edge_feat_dim


def _gcn_conv(x, edge_index, W, b):
    # Faithful PyG GCNConv: add self-loops, symmetric normalization, linear transform, scatter-add aggregate, bias.
    n = x.shape[0]
    loop = jnp.arange(n, dtype=edge_index.dtype)
    src = jnp.concatenate([edge_index[0], loop])
    dst = jnp.concatenate([edge_index[1], loop])
    deg = jnp.zeros((n,), dtype=x.dtype).at[dst].add(1.0)
    dinv = jnp.where(deg > 0, deg ** -0.5, 0.0)
    norm = dinv[src] * dinv[dst]
    h = x @ W
    msg = h[src] * norm[:, None]
    out = jnp.zeros((n, W.shape[1]), dtype=x.dtype).at[dst].add(msg)
    return out + b


def setup_inputs(seed: int = 0) -> dict:
    key = jax.random.key(seed)
    ks = jax.random.split(key, 16)
    x = jax.random.normal(ks[0], (N, D), dtype=jnp.float32)
    edge_index = jax.random.randint(ks[1], (2, E), 0, N, dtype=jnp.int32)
    edge_attr = jax.random.normal(ks[2], (E, DE), dtype=jnp.float32)
    # GCN layer weights (PyG GCNConv: glorot weight, zero bias)
    W1 = jax.random.normal(ks[3], (D, H), dtype=jnp.float32) * (2.0 / (D + H)) ** 0.5
    b1 = jnp.zeros((H,), dtype=jnp.float32)
    W2 = jax.random.normal(ks[4], (H, H), dtype=jnp.float32) * (2.0 / (H + H)) ** 0.5
    b2 = jnp.zeros((H,), dtype=jnp.float32)
    # Edge classifier MLP (kaiming_normal fan_in, a=0.2; zero biases)
    cin1 = 2 * H + DE
    g = (2.0 / (1.0 + 0.2 ** 2)) ** 0.5
    Wc1 = jax.random.normal(ks[5], (cin1, H), dtype=jnp.float32) * (g / cin1 ** 0.5)
    bc1 = jnp.zeros((H,), dtype=jnp.float32)
    Wc2 = jax.random.normal(ks[6], (H, H // 2), dtype=jnp.float32) * (g / H ** 0.5)
    bc2 = jnp.zeros((H // 2,), dtype=jnp.float32)
    Wc3 = jax.random.normal(ks[7], (H // 2, 1), dtype=jnp.float32) * (g / (H // 2) ** 0.5)
    bc3 = jnp.zeros((1,), dtype=jnp.float32)
    return {"x": x, "edge_index": edge_index, "edge_attr": edge_attr,
            "W1": W1, "b1": b1, "W2": W2, "b2": b2,
            "Wc1": Wc1, "bc1": bc1, "Wc2": Wc2, "bc2": bc2, "Wc3": Wc3, "bc3": bc3}


def reference(x, edge_index, edge_attr, W1, b1, W2, b2, Wc1, bc1, Wc2, bc2, Wc3, bc3):
    # conv1 -> dropout (identity at inference) -> conv2
    h = _gcn_conv(x, edge_index, W1, b1)
    h = _gcn_conv(h, edge_index, W2, b2)
    src = edge_index[0]
    dst = edge_index[1]
    h_src = h[src]
    h_dst = h[dst]
    edge_repr = jnp.concatenate([h_src, h_dst, edge_attr], axis=1)
    z = jnp.tanh(edge_repr @ Wc1 + bc1)
    # dropout identity at inference
    z = jnp.tanh(z @ Wc2 + bc2)
    edge_logits = z @ Wc3 + bc3
    return edge_logits

if __name__ == "__main__":
    import jax
    _d = setup_inputs()
    print(jax.jit(kernel)(*tuple(_d.values())))

</pallas_src>

<mosaic_0001>
#map = affine_map<(d0, d1) -> (0)>
#map1 = affine_map<(d0, d1) -> (0, 0)>
#map2 = affine_map<(d0, d1) -> (0, 0, 0)>
module attributes {stable_mosaic.version = 14 : i64} {
  func.func @_conv_edge_body(%arg0: i32, %arg1: i32, %arg2: memref<163840xi32, #tpu.memory_space<hbm>>, %arg3: memref<163840xi32, #tpu.memory_space<hbm>>, %arg4: memref<10000x128xf32, #tpu.memory_space<hbm>>, %arg5: memref<10000x128xf32, #tpu.memory_space<hbm>>, %arg6: memref<10112x128xf32, #tpu.memory_space<hbm>>, %arg7: memref<2x10112x128xf32, #tpu.memory_space<hbm>>, %arg8: memref<128xi32, #tpu.memory_space<vmem>>, %arg9: memref<128xi32, #tpu.memory_space<vmem>>, %arg10: memref<128x128xf32, #tpu.memory_space<vmem>>, %arg11: memref<10112x128xf32, #tpu.memory_space<vmem_shared>>, %arg12: memref<!tpu.dma_semaphore, #tpu.memory_space<semaphore_mem>>) attributes {dimension_semantics = [#tpu.dimension_semantics<core_parallel>, #tpu.dimension_semantics<subcore_parallel>], iteration_bounds = array<i64: 2, 16>, scalar_prefetch = 0 : i64, scratch_operands = 5 : i64, tpu.core_type = #tpu.core_type<sc_vector_subcore>, window_params = [{transform_indices = #map}, {transform_indices = #map}, {transform_indices = #map1}, {transform_indices = #map1}, {transform_indices = #map1}, {transform_indices = #map2}]} {
    %mul3A = arith.constant 632 : i32
    %mul3A_0 = arith.muli %arg1, %mul3A : i32
    %mul3A_1 = arith.constant 632 : i32
    %mul3A_2 = arith.muli %arg1, %mul3A_1 : i32
    "tpu.region"() ({
      %run_scoped3A = tpu.sem_alloc : memref<!tpu.dma_semaphore, #tpu.memory_space<semaphore_mem>>
      %dma_start3A = arith.constant 0 : i32
      %dma_start3A_15 = tpu.memref_slice %arg11[%mul3A_2, %dma_start3A] : memref<10112x128xf32, #tpu.memory_space<vmem_shared>> -> memref<632x128xf32, #tpu.memory_space<vmem_shared>>
      %dma_start3A_16 = arith.constant 0 : i32
      %dma_start3A_17 = tpu.memref_slice %arg6[%mul3A_0, %dma_start3A_16] : memref<10112x128xf32, #tpu.memory_space<hbm>> -> memref<632x128xf32, #tpu.memory_space<hbm>>
      tpu.enqueue_dma source(%dma_start3A_17 : memref<632x128xf32, #tpu.memory_space<hbm>>) target(%dma_start3A_15 : memref<632x128xf32, #tpu.memory_space<vmem_shared>>) target_semaphore(%run_scoped3A : memref<!tpu.dma_semaphore, #tpu.memory_space<semaphore_mem>>)
      %dma_wait3A = arith.constant 0 : i32
      %dma_wait3A_18 = tpu.memref_slice %arg11[%mul3A_2, %dma_wait3A] : memref<10112x128xf32, #tpu.memory_space<vmem_shared>> -> memref<632x128xf32, #tpu.memory_space<vmem_shared>>
      %dma_wait3A_19 = arith.constant 0 : i32
      %dma_wait3A_20 = tpu.memref_slice %arg6[%mul3A_0, %dma_wait3A_19] : memref<10112x128xf32, #tpu.memory_space<hbm>> -> memref<632x128xf32, #tpu.memory_space<hbm>>
      tpu.wait_dma2 semaphore(%run_scoped3A : memref<!tpu.dma_semaphore, #tpu.memory_space<semaphore_mem>>) src(%dma_wait3A_20 : memref<632x128xf32, #tpu.memory_space<hbm>>) dst(%dma_wait3A_18 : memref<632x128xf32, #tpu.memory_space<vmem_shared>>)
      tpu.yield
    }) : () -> ()
    %barrier3A = arith.constant 0 : index
    tpu.barrier barrier_id(%barrier3A)
    %eq3A = arith.constant 0 : i32
    %eq3A_3 = arith.cmpi eq, %arg0, %eq3A : i32
    %convert_element_type3A = arith.extui %eq3A_3 : i1 to i32
    %cond3A = arith.constant 0 : i32
    %cond3A_4 = arith.cmpi ne, %convert_element_type3A, %cond3A : i32
    scf.if %cond3A_4 {
      %scan3A = arith.constant 0 : i32
      %scan3A_15 = arith.constant 0 : i32
      %scan3A_16 = arith.constant 80 : i32
      %scan3A_17 = arith.addi %scan3A_15, %scan3A_16 : i32
      %scan3A_18 = arith.constant 1 : i32
      %scan3A_19 = scf.for %scan3A_21 = %scan3A_15 to %scan3A_17 step %scan3A_18 iter_args(%scan3A_22 = %scan3A) -> (i32)  : i32 {
        %mul3A_23 = arith.constant 16 : i32
        %mul3A_24 = arith.muli %scan3A_21, %mul3A_23 : i32
        %add3A = arith.addi %mul3A_24, %arg1 : i32
        %mul3A_25 = arith.constant 128 : i32
        %mul3A_26 = arith.muli %add3A, %mul3A_25 : i32
        "tpu.region"() ({
          %run_scoped3A = tpu.sem_alloc : memref<!tpu.dma_semaphore, #tpu.memory_space<semaphore_mem>>
          %dma_start3A_32 = tpu.memref_slice %arg2[%mul3A_26] : memref<163840xi32, #tpu.memory_space<hbm>> -> memref<128xi32, #tpu.memory_space<hbm>>
          %dma_start3A_33 = tpu.memref_slice %arg2[%mul3A_26] : memref<163840xi32, #tpu.memory_space<hbm>> -> memref<128xi32, #tpu.memory_space<hbm>>
          tpu.enqueue_dma source(%dma_start3A_33 : memref<128xi32, #tpu.memory_space<hbm>>) target(%arg8 : memref<128xi32, #tpu.memory_space<vmem>>) target_semaphore(%run_scoped3A : memref<!tpu.dma_semaphore, #tpu.memory_space<semaphore_mem>>)
          %dma_wait3A_34 = tpu.memref_slice %arg2[%mul3A_26] : memref<163840xi32, #tpu.memory_space<hbm>> -> memref<128xi32, #tpu.memory_space<hbm>>
          %dma_wait3A_35 = tpu.memref_slice %arg2[%mul3A_26] : memref<163840xi32, #tpu.memory_space<hbm>> -> memref<128xi32, #tpu.memory_space<hbm>>
          tpu.wait_dma2 semaphore(%run_scoped3A : memref<!tpu.dma_semaphore, #tpu.memory_space<semaphore_mem>>) src(%dma_wait3A_35 : memref<128xi32, #tpu.memory_space<hbm>>) dst(%arg8 : memref<128xi32, #tpu.memory_space<vmem>>)
          tpu.yield
        }) : () -> ()
        "tpu.region"() ({
          %run_scoped3A = tpu.sem_alloc : memref<!tpu.dma_semaphore, #tpu.memory_space<semaphore_mem>>
          %dma_start3A_32 = tpu.memref_slice %arg3[%mul3A_26] : memref<163840xi32, #tpu.memory_space<hbm>> -> memref<128xi32, #tpu.memory_space<hbm>>
          %dma_start3A_33 = tpu.memref_slice %arg3[%mul3A_26] : memref<163840xi32, #tpu.memory_space<hbm>> -> memref<128xi32, #tpu.memory_space<hbm>>
          tpu.enqueue_dma source(%dma_start3A_33 : memref<128xi32, #tpu.memory_space<hbm>>) target(%arg9 : memref<128xi32, #tpu.memory_space<vmem>>) target_semaphore(%run_scoped3A : memref<!tpu.dma_semaphore, #tpu.memory_space<semaphore_mem>>)
          %dma_wait3A_34 = tpu.memref_slice %arg3[%mul3A_26] : memref<163840xi32, #tpu.memory_space<hbm>> -> memref<128xi32, #tpu.memory_space<hbm>>
          %dma_wait3A_35 = tpu.memref_slice %arg3[%mul3A_26] : memref<163840xi32, #tpu.memory_space<hbm>> -> memref<128xi32, #tpu.memory_space<hbm>>
          tpu.wait_dma2 semaphore(%run_scoped3A : memref<!tpu.dma_semaphore, #tpu.memory_space<semaphore_mem>>) src(%dma_wait3A_35 : memref<128xi32, #tpu.memory_space<hbm>>) dst(%arg9 : memref<128xi32, #tpu.memory_space<vmem>>)
          tpu.yield
        }) : () -> ()
        %dma_start3A = arith.constant 0 : i32
        %dma_start3A_27 = arith.constant 0 : i32
        %dma_start3A_28 = tpu.memref_slice %arg4[%dma_start3A, %dma_start3A_27] : memref<10000x128xf32, #tpu.memory_space<hbm>> -> memref<10000x128xf32, #tpu.memory_space<hbm>>
        tpu.enqueue_indirect_dma source(%dma_start3A_28 : memref<10000x128xf32, #tpu.memory_space<hbm>>) target(%arg10 : memref<128x128xf32, #tpu.memory_space<vmem>>) offsets(%arg8 : memref<128xi32, #tpu.memory_space<vmem>>) semaphore(%arg12 : memref<!tpu.dma_semaphore, #tpu.memory_space<semaphore_mem>>)
        %dma_wait3A = arith.constant 0 : i32
        %dma_wait3A_29 = arith.constant 0 : i32
        %dma_wait3A_30 = tpu.memref_slice %arg4[%dma_wait3A, %dma_wait3A_29] : memref<10000x128xf32, #tpu.memory_space<hbm>> -> memref<10000x128xf32, #tpu.memory_space<hbm>>
        tpu.wait_indirect_dma semaphore(%arg12 : memref<!tpu.dma_semaphore, #tpu.memory_space<semaphore_mem>>) src(%dma_wait3A_30 : memref<10000x128xf32, #tpu.memory_space<hbm>>) dst(%arg10 : memref<128x128xf32, #tpu.memory_space<vmem>>)
        "tpu.region"() ({
          %run_scoped3A = tpu.sem_alloc : memref<!tpu.dma_semaphore, #tpu.memory_space<semaphore_mem>>
          %dma_start3A_32 = arith.constant 0 : i32
          %dma_start3A_33 = arith.constant 0 : i32
          %dma_start3A_34 = tpu.memref_slice %arg11[%dma_start3A_32, %dma_start3A_33] : memref<10112x128xf32, #tpu.memory_space<vmem_shared>> -> memref<10112x128xf32, #tpu.memory_space<vmem_shared>>
          tpu.enqueue_indirect_dma source(%arg10 : memref<128x128xf32, #tpu.memory_space<vmem>>) target(%dma_start3A_34 : memref<10112x128xf32, #tpu.memory_space<vmem_shared>>) offsets(%arg9 : memref<128xi32, #tpu.memory_space<vmem>>) semaphore(%run_scoped3A : memref<!tpu.dma_semaphore, #tpu.memory_space<semaphore_mem>>) {add = true}
          %dma_wait3A_35 = arith.constant 0 : i32
          %dma_wait3A_36 = arith.constant 0 : i32
          %dma_wait3A_37 = tpu.memref_slice %arg11[%dma_wait3A_35, %dma_wait3A_36] : memref<10112x128xf32, #tpu.memory_space<vmem_shared>> -> memref<10112x128xf32, #tpu.memory_space<vmem_shared>>
          tpu.wait_indirect_dma semaphore(%run_scoped3A : memref<!tpu.dma_semaphore, #tpu.memory_space<semaphore_mem>>) src(%arg10 : memref<128x128xf32, #tpu.memory_space<vmem>>) dst(%dma_wait3A_37 : memref<10112x128xf32, #tpu.memory_space<vmem_shared>>)
          tpu.yield
        }) : () -> ()
        %scan3A_31 = arith.constant 0 : i32
        scf.yield %scan3A_31 : i32
      }
      %scan3A_20 = arith.constant 80 : i32
    } else {
    }
    %eq3A_5 = arith.constant 1 : i32
    %eq3A_6 = arith.cmpi eq, %arg0, %eq3A_5 : i32
    %convert_element_type3A_7 = arith.extui %eq3A_6 : i1 to i32
    %cond3A_8 = arith.constant 0 : i32
    %cond3A_9 = arith.cmpi ne, %convert_element_type3A_7, %cond3A_8 : i32
    scf.if %cond3A_9 {
      %scan3A = arith.constant 0 : i32
      %scan3A_15 = arith.constant 0 : i32
      %scan3A_16 = arith.constant 80 : i32
      %scan3A_17 = arith.addi %scan3A_15, %scan3A_16 : i32
      %scan3A_18 = arith.constant 1 : i32
      %scan3A_19 = scf.for %scan3A_21 = %scan3A_15 to %scan3A_17 step %scan3A_18 iter_args(%scan3A_22 = %scan3A) -> (i32)  : i32 {
        %mul3A_23 = arith.constant 16 : i32
        %mul3A_24 = arith.muli %scan3A_21, %mul3A_23 : i32
        %add3A = arith.addi %mul3A_24, %arg1 : i32
        %mul3A_25 = arith.constant 128 : i32
        %mul3A_26 = arith.muli %add3A, %mul3A_25 : i32
        "tpu.region"() ({
          %run_scoped3A = tpu.sem_alloc : memref<!tpu.dma_semaphore, #tpu.memory_space<semaphore_mem>>
          %dma_start3A_32 = tpu.memref_slice %arg2[%mul3A_26] : memref<163840xi32, #tpu.memory_space<hbm>> -> memref<128xi32, #tpu.memory_space<hbm>>
          %dma_start3A_33 = tpu.memref_slice %arg2[%mul3A_26] : memref<163840xi32, #tpu.memory_space<hbm>> -> memref<128xi32, #tpu.memory_space<hbm>>
          tpu.enqueue_dma source(%dma_start3A_33 : memref<128xi32, #tpu.memory_space<hbm>>) target(%arg8 : memref<128xi32, #tpu.memory_space<vmem>>) target_semaphore(%run_scoped3A : memref<!tpu.dma_semaphore, #tpu.memory_space<semaphore_mem>>)
          %dma_wait3A_34 = tpu.memref_slice %arg2[%mul3A_26] : memref<163840xi32, #tpu.memory_space<hbm>> -> memref<128xi32, #tpu.memory_space<hbm>>
          %dma_wait3A_35 = tpu.memref_slice %arg2[%mul3A_26] : memref<163840xi32, #tpu.memory_space<hbm>> -> memref<128xi32, #tpu.memory_space<hbm>>
          tpu.wait_dma2 semaphore(%run_scoped3A : memref<!tpu.dma_semaphore, #tpu.memory_space<semaphore_mem>>) src(%dma_wait3A_35 : memref<128xi32, #tpu.memory_space<hbm>>) dst(%arg8 : memref<128xi32, #tpu.memory_space<vmem>>)
          tpu.yield
        }) : () -> ()
        "tpu.region"() ({
          %run_scoped3A = tpu.sem_alloc : memref<!tpu.dma_semaphore, #tpu.memory_space<semaphore_mem>>
          %dma_start3A_32 = tpu.memref_slice %arg3[%mul3A_26] : memref<163840xi32, #tpu.memory_space<hbm>> -> memref<128xi32, #tpu.memory_space<hbm>>
          %dma_start3A_33 = tpu.memref_slice %arg3[%mul3A_26] : memref<163840xi32, #tpu.memory_space<hbm>> -> memref<128xi32, #tpu.memory_space<hbm>>
          tpu.enqueue_dma source(%dma_start3A_33 : memref<128xi32, #tpu.memory_space<hbm>>) target(%arg9 : memref<128xi32, #tpu.memory_space<vmem>>) target_semaphore(%run_scoped3A : memref<!tpu.dma_semaphore, #tpu.memory_space<semaphore_mem>>)
          %dma_wait3A_34 = tpu.memref_slice %arg3[%mul3A_26] : memref<163840xi32, #tpu.memory_space<hbm>> -> memref<128xi32, #tpu.memory_space<hbm>>
          %dma_wait3A_35 = tpu.memref_slice %arg3[%mul3A_26] : memref<163840xi32, #tpu.memory_space<hbm>> -> memref<128xi32, #tpu.memory_space<hbm>>
          tpu.wait_dma2 semaphore(%run_scoped3A : memref<!tpu.dma_semaphore, #tpu.memory_space<semaphore_mem>>) src(%dma_wait3A_35 : memref<128xi32, #tpu.memory_space<hbm>>) dst(%arg9 : memref<128xi32, #tpu.memory_space<vmem>>)
          tpu.yield
        }) : () -> ()
        %dma_start3A = arith.constant 0 : i32
        %dma_start3A_27 = arith.constant 0 : i32
        %dma_start3A_28 = tpu.memref_slice %arg5[%dma_start3A, %dma_start3A_27] : memref<10000x128xf32, #tpu.memory_space<hbm>> -> memref<10000x128xf32, #tpu.memory_space<hbm>>
        tpu.enqueue_indirect_dma source(%dma_start3A_28 : memref<10000x128xf32, #tpu.memory_space<hbm>>) target(%arg10 : memref<128x128xf32, #tpu.memory_space<vmem>>) offsets(%arg8 : memref<128xi32, #tpu.memory_space<vmem>>) semaphore(%arg12 : memref<!tpu.dma_semaphore, #tpu.memory_space<semaphore_mem>>)
        %dma_wait3A = arith.constant 0 : i32
        %dma_wait3A_29 = arith.constant 0 : i32
        %dma_wait3A_30 = tpu.memref_slice %arg5[%dma_wait3A, %dma_wait3A_29] : memref<10000x128xf32, #tpu.memory_space<hbm>> -> memref<10000x128xf32, #tpu.memory_space<hbm>>
        tpu.wait_indirect_dma semaphore(%arg12 : memref<!tpu.dma_semaphore, #tpu.memory_space<semaphore_mem>>) src(%dma_wait3A_30 : memref<10000x128xf32, #tpu.memory_space<hbm>>) dst(%arg10 : memref<128x128xf32, #tpu.memory_space<vmem>>)
        "tpu.region"() ({
          %run_scoped3A = tpu.sem_alloc : memref<!tpu.dma_semaphore, #tpu.memory_space<semaphore_mem>>
          %dma_start3A_32 = arith.constant 0 : i32
          %dma_start3A_33 = arith.constant 0 : i32
          %dma_start3A_34 = tpu.memref_slice %arg11[%dma_start3A_32, %dma_start3A_33] : memref<10112x128xf32, #tpu.memory_space<vmem_shared>> -> memref<10112x128xf32, #tpu.memory_space<vmem_shared>>
          tpu.enqueue_indirect_dma source(%arg10 : memref<128x128xf32, #tpu.memory_space<vmem>>) target(%dma_start3A_34 : memref<10112x128xf32, #tpu.memory_space<vmem_shared>>) offsets(%arg9 : memref<128xi32, #tpu.memory_space<vmem>>) semaphore(%run_scoped3A : memref<!tpu.dma_semaphore, #tpu.memory_space<semaphore_mem>>) {add = true}
          %dma_wait3A_35 = arith.constant 0 : i32
          %dma_wait3A_36 = arith.constant 0 : i32
          %dma_wait3A_37 = tpu.memref_slice %arg11[%dma_wait3A_35, %dma_wait3A_36] : memref<10112x128xf32, #tpu.memory_space<vmem_shared>> -> memref<10112x128xf32, #tpu.memory_space<vmem_shared>>
          tpu.wait_indirect_dma semaphore(%run_scoped3A : memref<!tpu.dma_semaphore, #tpu.memory_space<semaphore_mem>>) src(%arg10 : memref<128x128xf32, #tpu.memory_space<vmem>>) dst(%dma_wait3A_37 : memref<10112x128xf32, #tpu.memory_space<vmem_shared>>)
          tpu.yield
        }) : () -> ()
        %scan3A_31 = arith.constant 0 : i32
        scf.yield %scan3A_31 : i32
      }
      %scan3A_20 = arith.constant 80 : i32
    } else {
    }
    %barrier3A_10 = arith.constant 0 : index
    tpu.barrier barrier_id(%barrier3A_10)
    %mul3A_11 = arith.constant 632 : i32
    %mul3A_12 = arith.muli %arg1, %mul3A_11 : i32
    %mul3A_13 = arith.constant 632 : i32
    %mul3A_14 = arith.muli %arg1, %mul3A_13 : i32
    "tpu.region"() ({
      %run_scoped3A = tpu.sem_alloc : memref<!tpu.dma_semaphore, #tpu.memory_space<semaphore_mem>>
      %dma_start3A = arith.constant 0 : i32
      %dma_start3A_15 = tpu.memref_slice %arg7[%arg0, %mul3A_14, %dma_start3A] : memref<2x10112x128xf32, #tpu.memory_space<hbm>> -> memref<1x632x128xf32, #tpu.memory_space<hbm>>
      %dma_start3A_16 = tpu.memref_squeeze %dma_start3A_15 : memref<1x632x128xf32, #tpu.memory_space<hbm>> -> memref<632x128xf32, #tpu.memory_space<hbm>>
      %dma_start3A_17 = arith.constant 0 : i32
      %dma_start3A_18 = tpu.memref_slice %arg11[%mul3A_12, %dma_start3A_17] : memref<10112x128xf32, #tpu.memory_space<vmem_shared>> -> memref<632x128xf32, #tpu.memory_space<vmem_shared>>
      tpu.enqueue_dma source(%dma_start3A_18 : memref<632x128xf32, #tpu.memory_space<vmem_shared>>) target(%dma_start3A_16 : memref<632x128xf32, #tpu.memory_space<hbm>>) target_semaphore(%run_scoped3A : memref<!tpu.dma_semaphore, #tpu.memory_space<semaphore_mem>>)
      %dma_wait3A = arith.constant 0 : i32
      %dma_wait3A_19 = tpu.memref_slice %arg7[%arg0, %mul3A_14, %dma_wait3A] : memref<2x10112x128xf32, #tpu.memory_space<hbm>> -> memref<1x632x128xf32, #tpu.memory_space<hbm>>
      %dma_wait3A_20 = tpu.memref_squeeze %dma_wait3A_19 : memref<1x632x128xf32, #tpu.memory_space<hbm>> -> memref<632x128xf32, #tpu.memory_space<hbm>>
      %dma_wait3A_21 = arith.constant 0 : i32
      %dma_wait3A_22 = tpu.memref_slice %arg11[%mul3A_12, %dma_wait3A_21] : memref<10112x128xf32, #tpu.memory_space<vmem_shared>> -> memref<632x128xf32, #tpu.memory_space<vmem_shared>>
      tpu.wait_dma2 semaphore(%run_scoped3A : memref<!tpu.dma_semaphore, #tpu.memory_space<semaphore_mem>>) src(%dma_wait3A_22 : memref<632x128xf32, #tpu.memory_space<vmem_shared>>) dst(%dma_wait3A_20 : memref<632x128xf32, #tpu.memory_space<hbm>>)
      tpu.yield
    }) : () -> ()
    return
  }
}

#map = affine_map<(d0, d1) -> (0)>
#map1 = affine_map<(d0, d1) -> (0, 0)>
#map2 = affine_map<(d0, d1) -> (0, 0, 0)>
module attributes {stable_mosaic.version = 14 : i64} {
  func.func @_deg_body(%arg0: i32, %arg1: i32, %arg2: memref<160000xi32, #tpu.memory_space<hbm>>, %arg3: memref<128x128xf32, #tpu.memory_space<hbm>>, %arg4: memref<10112x128xf32, #tpu.memory_space<hbm>>, %arg5: memref<2x10112x128xf32, #tpu.memory_space<hbm>>, %arg6: memref<128xi32, #tpu.memory_space<vmem>>, %arg7: memref<128x128xf32, #tpu.memory_space<vmem>>, %arg8: memref<10112x128xf32, #tpu.memory_space<vmem_shared>>) attributes {dimension_semantics = [#tpu.dimension_semantics<core_parallel>, #tpu.dimension_semantics<subcore_parallel>], iteration_bounds = array<i64: 2, 16>, scalar_prefetch = 0 : i64, scratch_operands = 3 : i64, tpu.core_type = #tpu.core_type<sc_vector_subcore>, window_params = [{transform_indices = #map}, {transform_indices = #map1}, {transform_indices = #map1}, {transform_indices = #map2}]} {
    %mul3A = arith.constant 16 : i32
    %mul3A_0 = arith.muli %arg0, %mul3A : i32
    %add3A = arith.addi %mul3A_0, %arg1 : i32
    %mul3A_1 = arith.constant 632 : i32
    %mul3A_2 = arith.muli %arg1, %mul3A_1 : i32
    %mul3A_3 = arith.constant 632 : i32
    %mul3A_4 = arith.muli %arg1, %mul3A_3 : i32
    "tpu.region"() ({
      %run_scoped3A = tpu.sem_alloc : memref<!tpu.dma_semaphore, #tpu.memory_space<semaphore_mem>>
      %dma_start3A = arith.constant 0 : i32
      %dma_start3A_18 = tpu.memref_slice %arg8[%mul3A_4, %dma_start3A] : memref<10112x128xf32, #tpu.memory_space<vmem_shared>> -> memref<632x128xf32, #tpu.memory_space<vmem_shared>>
      %dma_start3A_19 = arith.constant 0 : i32
      %dma_start3A_20 = tpu.memref_slice %arg4[%mul3A_2, %dma_start3A_19] : memref<10112x128xf32, #tpu.memory_space<hbm>> -> memref<632x128xf32, #tpu.memory_space<hbm>>
      tpu.enqueue_dma source(%dma_start3A_20 : memref<632x128xf32, #tpu.memory_space<hbm>>) target(%dma_start3A_18 : memref<632x128xf32, #tpu.memory_space<vmem_shared>>) target_semaphore(%run_scoped3A : memref<!tpu.dma_semaphore, #tpu.memory_space<semaphore_mem>>)
      %dma_wait3A = arith.constant 0 : i32
      %dma_wait3A_21 = tpu.memref_slice %arg8[%mul3A_4, %dma_wait3A] : memref<10112x128xf32, #tpu.memory_space<vmem_shared>> -> memref<632x128xf32, #tpu.memory_space<vmem_shared>>
      %dma_wait3A_22 = arith.constant 0 : i32
      %dma_wait3A_23 = tpu.memref_slice %arg4[%mul3A_2, %dma_wait3A_22] : memref<10112x128xf32, #tpu.memory_space<hbm>> -> memref<632x128xf32, #tpu.memory_space<hbm>>
      tpu.wait_dma2 semaphore(%run_scoped3A : memref<!tpu.dma_semaphore, #tpu.memory_space<semaphore_mem>>) src(%dma_wait3A_23 : memref<632x128xf32, #tpu.memory_space<hbm>>) dst(%dma_wait3A_21 : memref<632x128xf32, #tpu.memory_space<vmem_shared>>)
      tpu.yield
    }) : () -> ()
    "tpu.region"() ({
      %run_scoped3A = tpu.sem_alloc : memref<!tpu.dma_semaphore, #tpu.memory_space<semaphore_mem>>
      tpu.enqueue_dma source(%arg3 : memref<128x128xf32, #tpu.memory_space<hbm>>) target(%arg7 : memref<128x128xf32, #tpu.memory_space<vmem>>) target_semaphore(%run_scoped3A : memref<!tpu.dma_semaphore, #tpu.memory_space<semaphore_mem>>)
      tpu.wait_dma2 semaphore(%run_scoped3A : memref<!tpu.dma_semaphore, #tpu.memory_space<semaphore_mem>>) src(%arg3 : memref<128x128xf32, #tpu.memory_space<hbm>>) dst(%arg7 : memref<128x128xf32, #tpu.memory_space<vmem>>)
      tpu.yield
    }) : () -> ()
    %barrier3A = arith.constant 0 : index
    tpu.barrier barrier_id(%barrier3A)
    %scan3A = arith.constant 0 : i32
    %scan3A_5 = arith.constant 0 : i32
    %scan3A_6 = arith.constant 39 : i32
    %scan3A_7 = arith.addi %scan3A_5, %scan3A_6 : i32
    %scan3A_8 = arith.constant 1 : i32
    %scan3A_9 = scf.for %scan3A_18 = %scan3A_5 to %scan3A_7 step %scan3A_8 iter_args(%scan3A_19 = %scan3A) -> (i32)  : i32 {
      %mul3A_20 = arith.constant 4096 : i32
      %mul3A_21 = arith.muli %scan3A_18, %mul3A_20 : i32
      %mul3A_22 = arith.constant 128 : i32
      %mul3A_23 = arith.muli %add3A, %mul3A_22 : i32
      %add3A_24 = arith.addi %mul3A_21, %mul3A_23 : i32
      "tpu.region"() ({
        %run_scoped3A = tpu.sem_alloc : memref<!tpu.dma_semaphore, #tpu.memory_space<semaphore_mem>>
        %dma_start3A = tpu.memref_slice %arg2[%add3A_24] : memref<160000xi32, #tpu.memory_space<hbm>> -> memref<128xi32, #tpu.memory_space<hbm>>
        %dma_start3A_26 = tpu.memref_slice %arg2[%add3A_24] : memref<160000xi32, #tpu.memory_space<hbm>> -> memref<128xi32, #tpu.memory_space<hbm>>
        tpu.enqueue_dma source(%dma_start3A_26 : memref<128xi32, #tpu.memory_space<hbm>>) target(%arg6 : memref<128xi32, #tpu.memory_space<vmem>>) target_semaphore(%run_scoped3A : memref<!tpu.dma_semaphore, #tpu.memory_space<semaphore_mem>>)
        %dma_wait3A = tpu.memref_slice %arg2[%add3A_24] : memref<160000xi32, #tpu.memory_space<hbm>> -> memref<128xi32, #tpu.memory_space<hbm>>
        %dma_wait3A_27 = tpu.memref_slice %arg2[%add3A_24] : memref<160000xi32, #tpu.memory_space<hbm>> -> memref<128xi32, #tpu.memory_space<hbm>>
        tpu.wait_dma2 semaphore(%run_scoped3A : memref<!tpu.dma_semaphore, #tpu.memory_space<semaphore_mem>>) src(%dma_wait3A_27 : memref<128xi32, #tpu.memory_space<hbm>>) dst(%arg6 : memref<128xi32, #tpu.memory_space<vmem>>)
        tpu.yield
      }) : () -> ()
      "tpu.region"() ({
        %run_scoped3A = tpu.sem_alloc : memref<!tpu.dma_semaphore, #tpu.memory_space<semaphore_mem>>
        %dma_start3A = arith.constant 0 : i32
        %dma_start3A_26 = arith.constant 0 : i32
        %dma_start3A_27 = tpu.memref_slice %arg8[%dma_start3A, %dma_start3A_26] : memref<10112x128xf32, #tpu.memory_space<vmem_shared>> -> memref<10112x128xf32, #tpu.memory_space<vmem_shared>>
        tpu.enqueue_indirect_dma source(%arg7 : memref<128x128xf32, #tpu.memory_space<vmem>>) target(%dma_start3A_27 : memref<10112x128xf32, #tpu.memory_space<vmem_shared>>) offsets(%arg6 : memref<128xi32, #tpu.memory_space<vmem>>) semaphore(%run_scoped3A : memref<!tpu.dma_semaphore, #tpu.memory_space<semaphore_mem>>) {add = true}
        %dma_wait3A = arith.constant 0 : i32
        %dma_wait3A_28 = arith.constant 0 : i32
        %dma_wait3A_29 = tpu.memref_slice %arg8[%dma_wait3A, %dma_wait3A_28] : memref<10112x128xf32, #tpu.memory_space<vmem_shared>> -> memref<10112x128xf32, #tpu.memory_space<vmem_shared>>
        tpu.wait_indirect_dma semaphore(%run_scoped3A : memref<!tpu.dma_semaphore, #tpu.memory_space<semaphore_mem>>) src(%arg7 : memref<128x128xf32, #tpu.memory_space<vmem>>) dst(%dma_wait3A_29 : memref<10112x128xf32, #tpu.memory_space<vmem_shared>>)
        tpu.yield
      }) : () -> ()
      %scan3A_25 = arith.constant 0 : i32
      scf.yield %scan3A_25 : i32
    }
    %scan3A_10 = arith.constant 39 : i32
    %lt3A = arith.constant 2 : i32
    %lt3A_11 = arith.cmpi slt, %add3A, %lt3A : i32
    %convert_element_type3A = arith.extui %lt3A_11 : i1 to i32
    %cond3A = arith.constant 0 : i32
    %cond3A_12 = arith.cmpi ne, %convert_element_type3A, %cond3A : i32
    scf.if %cond3A_12 {
      %mul3A_18 = arith.constant 128 : i32
      %mul3A_19 = arith.muli %add3A, %mul3A_18 : i32
      %add3A_20 = arith.constant 159744 : i32
      %add3A_21 = arith.addi %add3A_20, %mul3A_19 : i32
      "tpu.region"() ({
        %run_scoped3A = tpu.sem_alloc : memref<!tpu.dma_semaphore, #tpu.memory_space<semaphore_mem>>
        %dma_start3A = tpu.memref_slice %arg2[%add3A_21] : memref<160000xi32, #tpu.memory_space<hbm>> -> memref<128xi32, #tpu.memory_space<hbm>>
        %dma_start3A_22 = tpu.memref_slice %arg2[%add3A_21] : memref<160000xi32, #tpu.memory_space<hbm>> -> memref<128xi32, #tpu.memory_space<hbm>>
        tpu.enqueue_dma source(%dma_start3A_22 : memref<128xi32, #tpu.memory_space<hbm>>) target(%arg6 : memref<128xi32, #tpu.memory_space<vmem>>) target_semaphore(%run_scoped3A : memref<!tpu.dma_semaphore, #tpu.memory_space<semaphore_mem>>)
        %dma_wait3A = tpu.memref_slice %arg2[%add3A_21] : memref<160000xi32, #tpu.memory_space<hbm>> -> memref<128xi32, #tpu.memory_space<hbm>>
        %dma_wait3A_23 = tpu.memref_slice %arg2[%add3A_21] : memref<160000xi32, #tpu.memory_space<hbm>> -> memref<128xi32, #tpu.memory_space<hbm>>
        tpu.wait_dma2 semaphore(%run_scoped3A : memref<!tpu.dma_semaphore, #tpu.memory_space<semaphore_mem>>) src(%dma_wait3A_23 : memref<128xi32, #tpu.memory_space<hbm>>) dst(%arg6 : memref<128xi32, #tpu.memory_space<vmem>>)
        tpu.yield
      }) : () -> ()
      "tpu.region"() ({
        %run_scoped3A = tpu.sem_alloc : memref<!tpu.dma_semaphore, #tpu.memory_space<semaphore_mem>>
        %dma_start3A = arith.constant 0 : i32
        %dma_start3A_22 = arith.constant 0 : i32
        %dma_start3A_23 = tpu.memref_slice %arg8[%dma_start3A, %dma_start3A_22] : memref<10112x128xf32, #tpu.memory_space<vmem_shared>> -> memref<10112x128xf32, #tpu.memory_space<vmem_shared>>
        tpu.enqueue_indirect_dma source(%arg7 : memref<128x128xf32, #tpu.memory_space<vmem>>) target(%dma_start3A_23 : memref<10112x128xf32, #tpu.memory_space<vmem_shared>>) offsets(%arg6 : memref<128xi32, #tpu.memory_space<vmem>>) semaphore(%run_scoped3A : memref<!tpu.dma_semaphore, #tpu.memory_space<semaphore_mem>>) {add = true}
        %dma_wait3A = arith.constant 0 : i32
        %dma_wait3A_24 = arith.constant 0 : i32
        %dma_wait3A_25 = tpu.memref_slice %arg8[%dma_wait3A, %dma_wait3A_24] : memref<10112x128xf32, #tpu.memory_space<vmem_shared>> -> memref<10112x128xf32, #tpu.memory_space<vmem_shared>>
        tpu.wait_indirect_dma semaphore(%run_scoped3A : memref<!tpu.dma_semaphore, #tpu.memory_space<semaphore_mem>>) src(%arg7 : memref<128x128xf32, #tpu.memory_space<vmem>>) dst(%dma_wait3A_25 : memref<10112x128xf32, #tpu.memory_space<vmem_shared>>)
        tpu.yield
      }) : () -> ()
    } else {
    }
    %barrier3A_13 = arith.constant 0 : index
    tpu.barrier barrier_id(%barrier3A_13)
    %mul3A_14 = arith.constant 632 : i32
    %mul3A_15 = arith.muli %arg1, %mul3A_14 : i32
    %mul3A_16 = arith.constant 632 : i32
    %mul3A_17 = arith.muli %arg1, %mul3A_16 : i32
    "tpu.region"() ({
      %run_scoped3A = tpu.sem_alloc : memref<!tpu.dma_semaphore, #tpu.memory_space<semaphore_mem>>
      %dma_start3A = arith.constant 0 : i32
      %dma_start3A_18 = tpu.memref_slice %arg5[%arg0, %mul3A_17, %dma_start3A] : memref<2x10112x128xf32, #tpu.memory_space<hbm>> -> memref<1x632x128xf32, #tpu.memory_space<hbm>>
      %dma_start3A_19 = tpu.memref_squeeze %dma_start3A_18 : memref<1x632x128xf32, #tpu.memory_space<hbm>> -> memref<632x128xf32, #tpu.memory_space<hbm>>
      %dma_start3A_20 = arith.constant 0 : i32
      %dma_start3A_21 = tpu.memref_slice %arg8[%mul3A_15, %dma_start3A_20] : memref<10112x128xf32, #tpu.memory_space<vmem_shared>> -> memref<632x128xf32, #tpu.memory_space<vmem_shared>>
      tpu.enqueue_dma source(%dma_start3A_21 : memref<632x128xf32, #tpu.memory_space<vmem_shared>>) target(%dma_start3A_19 : memref<632x128xf32, #tpu.memory_space<hbm>>) target_semaphore(%run_scoped3A : memref<!tpu.dma_semaphore, #tpu.memory_space<semaphore_mem>>)
      %dma_wait3A = arith.constant 0 : i32
      %dma_wait3A_22 = tpu.memref_slice %arg5[%arg0, %mul3A_17, %dma_wait3A] : memref<2x10112x128xf32, #tpu.memory_space<hbm>> -> memref<1x632x128xf32, #tpu.memory_space<hbm>>
      %dma_wait3A_23 = tpu.memref_squeeze %dma_wait3A_22 : memref<1x632x128xf32, #tpu.memory_space<hbm>> -> memref<632x128xf32, #tpu.memory_space<hbm>>
      %dma_wait3A_24 = arith.constant 0 : i32
      %dma_wait3A_25 = tpu.memref_slice %arg8[%mul3A_15, %dma_wait3A_24] : memref<10112x128xf32, #tpu.memory_space<vmem_shared>> -> memref<632x128xf32, #tpu.memory_space<vmem_shared>>
      tpu.wait_dma2 semaphore(%run_scoped3A : memref<!tpu.dma_semaphore, #tpu.memory_space<semaphore_mem>>) src(%dma_wait3A_25 : memref<632x128xf32, #tpu.memory_space<vmem_shared>>) dst(%dma_wait3A_23 : memref<632x128xf32, #tpu.memory_space<hbm>>)
      tpu.yield
    }) : () -> ()
    return
  }
}

#map = affine_map<(d0, d1) -> (0)>
#map1 = affine_map<(d0, d1) -> (0, 0)>
module attributes {stable_mosaic.version = 14 : i64} {
  func.func @_cls_gather_body(%arg0: i32, %arg1: i32, %arg2: memref<163840xi32, #tpu.memory_space<hbm>>, %arg3: memref<163840xi32, #tpu.memory_space<hbm>>, %arg4: memref<10000x128xi32, #tpu.memory_space<hbm>>, %arg5: memref<10000x128xi32, #tpu.memory_space<hbm>>, %arg6: memref<163840x128xi32, #tpu.memory_space<hbm>>, %arg7: memref<163840x128xi32, #tpu.memory_space<hbm>>, %arg8: memref<128xi32, #tpu.memory_space<vmem>>, %arg9: memref<128xi32, #tpu.memory_space<vmem>>, %arg10: memref<128x128xi32, #tpu.memory_space<vmem>>, %arg11: memref<!tpu.dma_semaphore, #tpu.memory_space<semaphore_mem>>) attributes {dimension_semantics = [#tpu.dimension_semantics<core_parallel>, #tpu.dimension_semantics<subcore_parallel>], iteration_bounds = array<i64: 2, 16>, scalar_prefetch = 0 : i64, scratch_operands = 4 : i64, tpu.core_type = #tpu.core_type<sc_vector_subcore>, window_params = [{transform_indices = #map}, {transform_indices = #map}, {transform_indices = #map1}, {transform_indices = #map1}, {transform_indices = #map1}, {transform_indices = #map1}]} {
    %mul3A = arith.constant 16 : i32
    %mul3A_0 = arith.muli %arg0, %mul3A : i32
    %add3A = arith.addi %mul3A_0, %arg1 : i32
    %scan3A = arith.constant 0 : i32
    %scan3A_1 = arith.constant 0 : i32
    %scan3A_2 = arith.constant 40 : i32
    %scan3A_3 = arith.addi %scan3A_1, %scan3A_2 : i32
    %scan3A_4 = arith.constant 1 : i32
    %scan3A_5 = scf.for %scan3A_7 = %scan3A_1 to %scan3A_3 step %scan3A_4 iter_args(%scan3A_8 = %scan3A) -> (i32)  : i32 {
      %mul3A_9 = arith.constant 2 : i32
      %mul3A_10 = arith.muli %scan3A_7, %mul3A_9 : i32
      %mul3A_11 = arith.constant 16 : i32
      %mul3A_12 = arith.muli %mul3A_10, %mul3A_11 : i32
      %add3A_13 = arith.addi %mul3A_12, %add3A : i32
      %mul3A_14 = arith.constant 128 : i32
      %mul3A_15 = arith.muli %add3A_13, %mul3A_14 : i32
      "tpu.region"() ({
        %run_scoped3A = tpu.sem_alloc : memref<!tpu.dma_semaphore, #tpu.memory_space<semaphore_mem>>
        %dma_start3A_27 = tpu.memref_slice %arg2[%mul3A_15] : memref<163840xi32, #tpu.memory_space<hbm>> -> memref<128xi32, #tpu.memory_space<hbm>>
        %dma_start3A_28 = tpu.memref_slice %arg2[%mul3A_15] : memref<163840xi32, #tpu.memory_space<hbm>> -> memref<128xi32, #tpu.memory_space<hbm>>
        tpu.enqueue_dma source(%dma_start3A_28 : memref<128xi32, #tpu.memory_space<hbm>>) target(%arg8 : memref<128xi32, #tpu.memory_space<vmem>>) target_semaphore(%run_scoped3A : memref<!tpu.dma_semaphore, #tpu.memory_space<semaphore_mem>>)
        %dma_wait3A_29 = tpu.memref_slice %arg2[%mul3A_15] : memref<163840xi32, #tpu.memory_space<hbm>> -> memref<128xi32, #tpu.memory_space<hbm>>
        %dma_wait3A_30 = tpu.memref_slice %arg2[%mul3A_15] : memref<163840xi32, #tpu.memory_space<hbm>> -> memref<128xi32, #tpu.memory_space<hbm>>
        tpu.wait_dma2 semaphore(%run_scoped3A : memref<!tpu.dma_semaphore, #tpu.memory_space<semaphore_mem>>) src(%dma_wait3A_30 : memref<128xi32, #tpu.memory_space<hbm>>) dst(%arg8 : memref<128xi32, #tpu.memory_space<vmem>>)
        tpu.yield
      }) : () -> ()
      "tpu.region"() ({
        %run_scoped3A = tpu.sem_alloc : memref<!tpu.dma_semaphore, #tpu.memory_space<semaphore_mem>>
        %dma_start3A_27 = tpu.memref_slice %arg3[%mul3A_15] : memref<163840xi32, #tpu.memory_space<hbm>> -> memref<128xi32, #tpu.memory_space<hbm>>
        %dma_start3A_28 = tpu.memref_slice %arg3[%mul3A_15] : memref<163840xi32, #tpu.memory_space<hbm>> -> memref<128xi32, #tpu.memory_space<hbm>>
        tpu.enqueue_dma source(%dma_start3A_28 : memref<128xi32, #tpu.memory_space<hbm>>) target(%arg9 : memref<128xi32, #tpu.memory_space<vmem>>) target_semaphore(%run_scoped3A : memref<!tpu.dma_semaphore, #tpu.memory_space<semaphore_mem>>)
        %dma_wait3A_29 = tpu.memref_slice %arg3[%mul3A_15] : memref<163840xi32, #tpu.memory_space<hbm>> -> memref<128xi32, #tpu.memory_space<hbm>>
        %dma_wait3A_30 = tpu.memref_slice %arg3[%mul3A_15] : memref<163840xi32, #tpu.memory_space<hbm>> -> memref<128xi32, #tpu.memory_space<hbm>>
        tpu.wait_dma2 semaphore(%run_scoped3A : memref<!tpu.dma_semaphore, #tpu.memory_space<semaphore_mem>>) src(%dma_wait3A_30 : memref<128xi32, #tpu.memory_space<hbm>>) dst(%arg9 : memref<128xi32, #tpu.memory_space<vmem>>)
        tpu.yield
      }) : () -> ()
      %dma_start3A = arith.constant 0 : i32
      %dma_start3A_16 = arith.constant 0 : i32
      %dma_start3A_17 = tpu.memref_slice %arg4[%dma_start3A, %dma_start3A_16] : memref<10000x128xi32, #tpu.memory_space<hbm>> -> memref<10000x128xi32, #tpu.memory_space<hbm>>
      tpu.enqueue_indirect_dma source(%dma_start3A_17 : memref<10000x128xi32, #tpu.memory_space<hbm>>) target(%arg10 : memref<128x128xi32, #tpu.memory_space<vmem>>) offsets(%arg8 : memref<128xi32, #tpu.memory_space<vmem>>) semaphore(%arg11 : memref<!tpu.dma_semaphore, #tpu.memory_space<semaphore_mem>>)
      %dma_wait3A = arith.constant 0 : i32
      %dma_wait3A_18 = arith.constant 0 : i32
      %dma_wait3A_19 = tpu.memref_slice %arg4[%dma_wait3A, %dma_wait3A_18] : memref<10000x128xi32, #tpu.memory_space<hbm>> -> memref<10000x128xi32, #tpu.memory_space<hbm>>
      tpu.wait_indirect_dma semaphore(%arg11 : memref<!tpu.dma_semaphore, #tpu.memory_space<semaphore_mem>>) src(%dma_wait3A_19 : memref<10000x128xi32, #tpu.memory_space<hbm>>) dst(%arg10 : memref<128x128xi32, #tpu.memory_space<vmem>>)
      "tpu.region"() ({
        %run_scoped3A = tpu.sem_alloc : memref<!tpu.dma_semaphore, #tpu.memory_space<semaphore_mem>>
        %dma_start3A_27 = arith.constant 0 : i32
        %dma_start3A_28 = tpu.memref_slice %arg6[%mul3A_15, %dma_start3A_27] : memref<163840x128xi32, #tpu.memory_space<hbm>> -> memref<128x128xi32, #tpu.memory_space<hbm>>
        %dma_start3A_29 = arith.constant 0 : i32
        %dma_start3A_30 = tpu.memref_slice %arg6[%mul3A_15, %dma_start3A_29] : memref<163840x128xi32, #tpu.memory_space<hbm>> -> memref<128x128xi32, #tpu.memory_space<hbm>>
        tpu.enqueue_dma source(%arg10 : memref<128x128xi32, #tpu.memory_space<vmem>>) target(%dma_start3A_30 : memref<128x128xi32, #tpu.memory_space<hbm>>) target_semaphore(%run_scoped3A : memref<!tpu.dma_semaphore, #tpu.memory_space<semaphore_mem>>)
        %dma_wait3A_31 = arith.constant 0 : i32
        %dma_wait3A_32 = tpu.memref_slice %arg6[%mul3A_15, %dma_wait3A_31] : memref<163840x128xi32, #tpu.memory_space<hbm>> -> memref<128x128xi32, #tpu.memory_space<hbm>>
        %dma_wait3A_33 = arith.constant 0 : i32
        %dma_wait3A_34 = tpu.memref_slice %arg6[%mul3A_15, %dma_wait3A_33] : memref<163840x128xi32, #tpu.memory_space<hbm>> -> memref<128x128xi32, #tpu.memory_space<hbm>>
        tpu.wait_dma2 semaphore(%run_scoped3A : memref<!tpu.dma_semaphore, #tpu.memory_space<semaphore_mem>>) src(%arg10 : memref<128x128xi32, #tpu.memory_space<vmem>>) dst(%dma_wait3A_34 : memref<128x128xi32, #tpu.memory_space<hbm>>)
        tpu.yield
      }) : () -> ()
      %dma_start3A_20 = arith.constant 0 : i32
      %dma_start3A_21 = arith.constant 0 : i32
      %dma_start3A_22 = tpu.memref_slice %arg5[%dma_start3A_20, %dma_start3A_21] : memref<10000x128xi32, #tpu.memory_space<hbm>> -> memref<10000x128xi32, #tpu.memory_space<hbm>>
      tpu.enqueue_indirect_dma source(%dma_start3A_22 : memref<10000x128xi32, #tpu.memory_space<hbm>>) target(%arg10 : memref<128x128xi32, #tpu.memory_space<vmem>>) offsets(%arg9 : memref<128xi32, #tpu.memory_space<vmem>>) semaphore(%arg11 : memref<!tpu.dma_semaphore, #tpu.memory_space<semaphore_mem>>)
      %dma_wait3A_23 = arith.constant 0 : i32
      %dma_wait3A_24 = arith.constant 0 : i32
      %dma_wait3A_25 = tpu.memref_slice %arg5[%dma_wait3A_23, %dma_wait3A_24] : memref<10000x128xi32, #tpu.memory_space<hbm>> -> memref<10000x128xi32, #tpu.memory_space<hbm>>
      tpu.wait_indirect_dma semaphore(%arg11 : memref<!tpu.dma_semaphore, #tpu.memory_space<semaphore_mem>>) src(%dma_wait3A_25 : memref<10000x128xi32, #tpu.memory_space<hbm>>) dst(%arg10 : memref<128x128xi32, #tpu.memory_space<vmem>>)
      "tpu.region"() ({
        %run_scoped3A = tpu.sem_alloc : memref<!tpu.dma_semaphore, #tpu.memory_space<semaphore_mem>>
        %dma_start3A_27 = arith.constant 0 : i32
        %dma_start3A_28 = tpu.memref_slice %arg7[%mul3A_15, %dma_start3A_27] : memref<163840x128xi32, #tpu.memory_space<hbm>> -> memref<128x128xi32, #tpu.memory_space<hbm>>
        %dma_start3A_29 = arith.constant 0 : i32
        %dma_start3A_30 = tpu.memref_slice %arg7[%mul3A_15, %dma_start3A_29] : memref<163840x128xi32, #tpu.memory_space<hbm>> -> memref<128x128xi32, #tpu.memory_space<hbm>>
        tpu.enqueue_dma source(%arg10 : memref<128x128xi32, #tpu.memory_space<vmem>>) target(%dma_start3A_30 : memref<128x128xi32, #tpu.memory_space<hbm>>) target_semaphore(%run_scoped3A : memref<!tpu.dma_semaphore, #tpu.memory_space<semaphore_mem>>)
        %dma_wait3A_31 = arith.constant 0 : i32
        %dma_wait3A_32 = tpu.memref_slice %arg7[%mul3A_15, %dma_wait3A_31] : memref<163840x128xi32, #tpu.memory_space<hbm>> -> memref<128x128xi32, #tpu.memory_space<hbm>>
        %dma_wait3A_33 = arith.constant 0 : i32
        %dma_wait3A_34 = tpu.memref_slice %arg7[%mul3A_15, %dma_wait3A_33] : memref<163840x128xi32, #tpu.memory_space<hbm>> -> memref<128x128xi32, #tpu.memory_space<hbm>>
        tpu.wait_dma2 semaphore(%run_scoped3A : memref<!tpu.dma_semaphore, #tpu.memory_space<semaphore_mem>>) src(%arg10 : memref<128x128xi32, #tpu.memory_space<vmem>>) dst(%dma_wait3A_34 : memref<128x128xi32, #tpu.memory_space<hbm>>)
        tpu.yield
      }) : () -> ()
      %scan3A_26 = arith.constant 0 : i32
      scf.yield %scan3A_26 : i32
    }
    %scan3A_6 = arith.constant 40 : i32
    return
  }
}

#map = affine_map<(d0, d1) -> (0)>
#map1 = affine_map<(d0, d1) -> (0, 0)>
#map2 = affine_map<(d0, d1) -> (0, 0, 0)>
module attributes {stable_mosaic.version = 14 : i64} {
  func.func @_conv_edge_body(%arg0: i32, %arg1: i32, %arg2: memref<163840xi32, #tpu.memory_space<hbm>>, %arg3: memref<163840xi32, #tpu.memory_space<hbm>>, %arg4: memref<10000x128xf32, #tpu.memory_space<hbm>>, %arg5: memref<10000x128xf32, #tpu.memory_space<hbm>>, %arg6: memref<10112x128xf32, #tpu.memory_space<hbm>>, %arg7: memref<2x10112x128xf32, #tpu.memory_space<hbm>>, %arg8: memref<128xi32, #tpu.memory_space<vmem>>, %arg9: memref<128xi32, #tpu.memory_space<vmem>>, %arg10: memref<128x128xf32, #tpu.memory_space<vmem>>, %arg11: memref<10112x128xf32, #tpu.memory_space<vmem_shared>>, %arg12: memref<!tpu.dma_semaphore, #tpu.memory_space<semaphore_mem>>) attributes {dimension_semantics = [#tpu.dimension_semantics<core_parallel>, #tpu.dimension_semantics<subcore_parallel>], iteration_bounds = array<i64: 2, 16>, scalar_prefetch = 0 : i64, scratch_operands = 5 : i64, tpu.core_type = #tpu.core_type<sc_vector_subcore>, window_params = [{transform_indices = #map}, {transform_indices = #map}, {transform_indices = #map1}, {transform_indices = #map1}, {transform_indices = #map1}, {transform_indices = #map2}]} {
    %mul3A = arith.constant 632 : i32
    %mul3A_0 = arith.muli %arg1, %mul3A : i32
    %mul3A_1 = arith.constant 632 : i32
    %mul3A_2 = arith.muli %arg1, %mul3A_1 : i32
    "tpu.region"() ({
      %run_scoped3A = tpu.sem_alloc : memref<!tpu.dma_semaphore, #tpu.memory_space<semaphore_mem>>
      %dma_start3A = arith.constant 0 : i32
      %dma_start3A_15 = tpu.memref_slice %arg11[%mul3A_2, %dma_start3A] : memref<10112x128xf32, #tpu.memory_space<vmem_shared>> -> memref<632x128xf32, #tpu.memory_space<vmem_shared>>
      %dma_start3A_16 = arith.constant 0 : i32
      %dma_start3A_17 = tpu.memref_slice %arg6[%mul3A_0, %dma_start3A_16] : memref<10112x128xf32, #tpu.memory_space<hbm>> -> memref<632x128xf32, #tpu.memory_space<hbm>>
      tpu.enqueue_dma source(%dma_start3A_17 : memref<632x128xf32, #tpu.memory_space<hbm>>) target(%dma_start3A_15 : memref<632x128xf32, #tpu.memory_space<vmem_shared>>) target_semaphore(%run_scoped3A : memref<!tpu.dma_semaphore, #tpu.memory_space<semaphore_mem>>)
      %dma_wait3A = arith.constant 0 : i32
      %dma_wait3A_18 = tpu.memref_slice %arg11[%mul3A_2, %dma_wait3A] : memref<10112x128xf32, #tpu.memory_space<vmem_shared>> -> memref<632x128xf32, #tpu.memory_space<vmem_shared>>
      %dma_wait3A_19 = arith.constant 0 : i32
      %dma_wait3A_20 = tpu.memref_slice %arg6[%mul3A_0, %dma_wait3A_19] : memref<10112x128xf32, #tpu.memory_space<hbm>> -> memref<632x128xf32, #tpu.memory_space<hbm>>
      tpu.wait_dma2 semaphore(%run_scoped3A : memref<!tpu.dma_semaphore, #tpu.memory_space<semaphore_mem>>) src(%dma_wait3A_20 : memref<632x128xf32, #tpu.memory_space<hbm>>) dst(%dma_wait3A_18 : memref<632x128xf32, #tpu.memory_space<vmem_shared>>)
      tpu.yield
    }) : () -> ()
    %barrier3A = arith.constant 0 : index
    tpu.barrier barrier_id(%barrier3A)
    %eq3A = arith.constant 0 : i32
    %eq3A_3 = arith.cmpi eq, %arg0, %eq3A : i32
    %convert_element_type3A = arith.extui %eq3A_3 : i1 to i32
    %cond3A = arith.constant 0 : i32
    %cond3A_4 = arith.cmpi ne, %convert_element_type3A, %cond3A : i32
    scf.if %cond3A_4 {
      %scan3A = arith.constant 0 : i32
      %scan3A_15 = arith.constant 0 : i32
      %scan3A_16 = arith.constant 80 : i32
      %scan3A_17 = arith.addi %scan3A_15, %scan3A_16 : i32
      %scan3A_18 = arith.constant 1 : i32
      %scan3A_19 = scf.for %scan3A_21 = %scan3A_15 to %scan3A_17 step %scan3A_18 iter_args(%scan3A_22 = %scan3A) -> (i32)  : i32 {
        %mul3A_23 = arith.constant 16 : i32
        %mul3A_24 = arith.muli %scan3A_21, %mul3A_23 : i32
        %add3A = arith.addi %mul3A_24, %arg1 : i32
        %mul3A_25 = arith.constant 128 : i32
        %mul3A_26 = arith.muli %add3A, %mul3A_25 : i32
        "tpu.region"() ({
          %run_scoped3A = tpu.sem_alloc : memref<!tpu.dma_semaphore, #tpu.memory_space<semaphore_mem>>
          %dma_start3A_32 = tpu.memref_slice %arg2[%mul3A_26] : memref<163840xi32, #tpu.memory_space<hbm>> -> memref<128xi32, #tpu.memory_space<hbm>>
          %dma_start3A_33 = tpu.memref_slice %arg2[%mul3A_26] : memref<163840xi32, #tpu.memory_space<hbm>> -> memref<128xi32, #tpu.memory_space<hbm>>
          tpu.enqueue_dma source(%dma_start3A_33 : memref<128xi32, #tpu.memory_space<hbm>>) target(%arg8 : memref<128xi32, #tpu.memory_space<vmem>>) target_semaphore(%run_scoped3A : memref<!tpu.dma_semaphore, #tpu.memory_space<semaphore_mem>>)
          %dma_wait3A_34 = tpu.memref_slice %arg2[%mul3A_26] : memref<163840xi32, #tpu.memory_space<hbm>> -> memref<128xi32, #tpu.memory_space<hbm>>
          %dma_wait3A_35 = tpu.memref_slice %arg2[%mul3A_26] : memref<163840xi32, #tpu.memory_space<hbm>> -> memref<128xi32, #tpu.memory_space<hbm>>
          tpu.wait_dma2 semaphore(%run_scoped3A : memref<!tpu.dma_semaphore, #tpu.memory_space<semaphore_mem>>) src(%dma_wait3A_35 : memref<128xi32, #tpu.memory_space<hbm>>) dst(%arg8 : memref<128xi32, #tpu.memory_space<vmem>>)
          tpu.yield
        }) : () -> ()
        "tpu.region"() ({
          %run_scoped3A = tpu.sem_alloc : memref<!tpu.dma_semaphore, #tpu.memory_space<semaphore_mem>>
          %dma_start3A_32 = tpu.memref_slice %arg3[%mul3A_26] : memref<163840xi32, #tpu.memory_space<hbm>> -> memref<128xi32, #tpu.memory_space<hbm>>
          %dma_start3A_33 = tpu.memref_slice %arg3[%mul3A_26] : memref<163840xi32, #tpu.memory_space<hbm>> -> memref<128xi32, #tpu.memory_space<hbm>>
          tpu.enqueue_dma source(%dma_start3A_33 : memref<128xi32, #tpu.memory_space<hbm>>) target(%arg9 : memref<128xi32, #tpu.memory_space<vmem>>) target_semaphore(%run_scoped3A : memref<!tpu.dma_semaphore, #tpu.memory_space<semaphore_mem>>)
          %dma_wait3A_34 = tpu.memref_slice %arg3[%mul3A_26] : memref<163840xi32, #tpu.memory_space<hbm>> -> memref<128xi32, #tpu.memory_space<hbm>>
          %dma_wait3A_35 = tpu.memref_slice %arg3[%mul3A_26] : memref<163840xi32, #tpu.memory_space<hbm>> -> memref<128xi32, #tpu.memory_space<hbm>>
          tpu.wait_dma2 semaphore(%run_scoped3A : memref<!tpu.dma_semaphore, #tpu.memory_space<semaphore_mem>>) src(%dma_wait3A_35 : memref<128xi32, #tpu.memory_space<hbm>>) dst(%arg9 : memref<128xi32, #tpu.memory_space<vmem>>)
          tpu.yield
        }) : () -> ()
        %dma_start3A = arith.constant 0 : i32
        %dma_start3A_27 = arith.constant 0 : i32
        %dma_start3A_28 = tpu.memref_slice %arg4[%dma_start3A, %dma_start3A_27] : memref<10000x128xf32, #tpu.memory_space<hbm>> -> memref<10000x128xf32, #tpu.memory_space<hbm>>
        tpu.enqueue_indirect_dma source(%dma_start3A_28 : memref<10000x128xf32, #tpu.memory_space<hbm>>) target(%arg10 : memref<128x128xf32, #tpu.memory_space<vmem>>) offsets(%arg8 : memref<128xi32, #tpu.memory_space<vmem>>) semaphore(%arg12 : memref<!tpu.dma_semaphore, #tpu.memory_space<semaphore_mem>>)
        %dma_wait3A = arith.constant 0 : i32
        %dma_wait3A_29 = arith.constant 0 : i32
        %dma_wait3A_30 = tpu.memref_slice %arg4[%dma_wait3A, %dma_wait3A_29] : memref<10000x128xf32, #tpu.memory_space<hbm>> -> memref<10000x128xf32, #tpu.memory_space<hbm>>
        tpu.wait_indirect_dma semaphore(%arg12 : memref<!tpu.dma_semaphore, #tpu.memory_space<semaphore_mem>>) src(%dma_wait3A_30 : memref<10000x128xf32, #tpu.memory_space<hbm>>) dst(%arg10 : memref<128x128xf32, #tpu.memory_space<vmem>>)
        "tpu.region"() ({
          %run_scoped3A = tpu.sem_alloc : memref<!tpu.dma_semaphore, #tpu.memory_space<semaphore_mem>>
          %dma_start3A_32 = arith.constant 0 : i32
          %dma_start3A_33 = arith.constant 0 : i32
          %dma_start3A_34 = tpu.memref_slice %arg11[%dma_start3A_32, %dma_start3A_33] : memref<10112x128xf32, #tpu.memory_space<vmem_shared>> -> memref<10112x128xf32, #tpu.memory_space<vmem_shared>>
          tpu.enqueue_indirect_dma source(%arg10 : memref<128x128xf32, #tpu.memory_space<vmem>>) target(%dma_start3A_34 : memref<10112x128xf32, #tpu.memory_space<vmem_shared>>) offsets(%arg9 : memref<128xi32, #tpu.memory_space<vmem>>) semaphore(%run_scoped3A : memref<!tpu.dma_semaphore, #tpu.memory_space<semaphore_mem>>) {add = true}
          %dma_wait3A_35 = arith.constant 0 : i32
          %dma_wait3A_36 = arith.constant 0 : i32
          %dma_wait3A_37 = tpu.memref_slice %arg11[%dma_wait3A_35, %dma_wait3A_36] : memref<10112x128xf32, #tpu.memory_space<vmem_shared>> -> memref<10112x128xf32, #tpu.memory_space<vmem_shared>>
          tpu.wait_indirect_dma semaphore(%run_scoped3A : memref<!tpu.dma_semaphore, #tpu.memory_space<semaphore_mem>>) src(%arg10 : memref<128x128xf32, #tpu.memory_space<vmem>>) dst(%dma_wait3A_37 : memref<10112x128xf32, #tpu.memory_space<vmem_shared>>)
          tpu.yield
        }) : () -> ()
        %scan3A_31 = arith.constant 0 : i32
        scf.yield %scan3A_31 : i32
      }
      %scan3A_20 = arith.constant 80 : i32
    } else {
    }
    %eq3A_5 = arith.constant 1 : i32
    %eq3A_6 = arith.cmpi eq, %arg0, %eq3A_5 : i32
    %convert_element_type3A_7 = arith.extui %eq3A_6 : i1 to i32
    %cond3A_8 = arith.constant 0 : i32
    %cond3A_9 = arith.cmpi ne, %convert_element_type3A_7, %cond3A_8 : i32
    scf.if %cond3A_9 {
      %scan3A = arith.constant 0 : i32
      %scan3A_15 = arith.constant 0 : i32
      %scan3A_16 = arith.constant 80 : i32
      %scan3A_17 = arith.addi %scan3A_15, %scan3A_16 : i32
      %scan3A_18 = arith.constant 1 : i32
      %scan3A_19 = scf.for %scan3A_21 = %scan3A_15 to %scan3A_17 step %scan3A_18 iter_args(%scan3A_22 = %scan3A) -> (i32)  : i32 {
        %mul3A_23 = arith.constant 16 : i32
        %mul3A_24 = arith.muli %scan3A_21, %mul3A_23 : i32
        %add3A = arith.addi %mul3A_24, %arg1 : i32
        %mul3A_25 = arith.constant 128 : i32
        %mul3A_26 = arith.muli %add3A, %mul3A_25 : i32
        "tpu.region"() ({
          %run_scoped3A = tpu.sem_alloc : memref<!tpu.dma_semaphore, #tpu.memory_space<semaphore_mem>>
          %dma_start3A_32 = tpu.memref_slice %arg2[%mul3A_26] : memref<163840xi32, #tpu.memory_space<hbm>> -> memref<128xi32, #tpu.memory_space<hbm>>
          %dma_start3A_33 = tpu.memref_slice %arg2[%mul3A_26] : memref<163840xi32, #tpu.memory_space<hbm>> -> memref<128xi32, #tpu.memory_space<hbm>>
          tpu.enqueue_dma source(%dma_start3A_33 : memref<128xi32, #tpu.memory_space<hbm>>) target(%arg8 : memref<128xi32, #tpu.memory_space<vmem>>) target_semaphore(%run_scoped3A : memref<!tpu.dma_semaphore, #tpu.memory_space<semaphore_mem>>)
          %dma_wait3A_34 = tpu.memref_slice %arg2[%mul3A_26] : memref<163840xi32, #tpu.memory_space<hbm>> -> memref<128xi32, #tpu.memory_space<hbm>>
          %dma_wait3A_35 = tpu.memref_slice %arg2[%mul3A_26] : memref<163840xi32, #tpu.memory_space<hbm>> -> memref<128xi32, #tpu.memory_space<hbm>>
          tpu.wait_dma2 semaphore(%run_scoped3A : memref<!tpu.dma_semaphore, #tpu.memory_space<semaphore_mem>>) src(%dma_wait3A_35 : memref<128xi32, #tpu.memory_space<hbm>>) dst(%arg8 : memref<128xi32, #tpu.memory_space<vmem>>)
          tpu.yield
        }) : () -> ()
        "tpu.region"() ({
          %run_scoped3A = tpu.sem_alloc : memref<!tpu.dma_semaphore, #tpu.memory_space<semaphore_mem>>
          %dma_start3A_32 = tpu.memref_slice %arg3[%mul3A_26] : memref<163840xi32, #tpu.memory_space<hbm>> -> memref<128xi32, #tpu.memory_space<hbm>>
          %dma_start3A_33 = tpu.memref_slice %arg3[%mul3A_26] : memref<163840xi32, #tpu.memory_space<hbm>> -> memref<128xi32, #tpu.memory_space<hbm>>
          tpu.enqueue_dma source(%dma_start3A_33 : memref<128xi32, #tpu.memory_space<hbm>>) target(%arg9 : memref<128xi32, #tpu.memory_space<vmem>>) target_semaphore(%run_scoped3A : memref<!tpu.dma_semaphore, #tpu.memory_space<semaphore_mem>>)
          %dma_wait3A_34 = tpu.memref_slice %arg3[%mul3A_26] : memref<163840xi32, #tpu.memory_space<hbm>> -> memref<128xi32, #tpu.memory_space<hbm>>
          %dma_wait3A_35 = tpu.memref_slice %arg3[%mul3A_26] : memref<163840xi32, #tpu.memory_space<hbm>> -> memref<128xi32, #tpu.memory_space<hbm>>
          tpu.wait_dma2 semaphore(%run_scoped3A : memref<!tpu.dma_semaphore, #tpu.memory_space<semaphore_mem>>) src(%dma_wait3A_35 : memref<128xi32, #tpu.memory_space<hbm>>) dst(%arg9 : memref<128xi32, #tpu.memory_space<vmem>>)
          tpu.yield
        }) : () -> ()
        %dma_start3A = arith.constant 0 : i32
        %dma_start3A_27 = arith.constant 0 : i32
        %dma_start3A_28 = tpu.memref_slice %arg5[%dma_start3A, %dma_start3A_27] : memref<10000x128xf32, #tpu.memory_space<hbm>> -> memref<10000x128xf32, #tpu.memory_space<hbm>>
        tpu.enqueue_indirect_dma source(%dma_start3A_28 : memref<10000x128xf32, #tpu.memory_space<hbm>>) target(%arg10 : memref<128x128xf32, #tpu.memory_space<vmem>>) offsets(%arg8 : memref<128xi32, #tpu.memory_space<vmem>>) semaphore(%arg12 : memref<!tpu.dma_semaphore, #tpu.memory_space<semaphore_mem>>)
        %dma_wait3A = arith.constant 0 : i32
        %dma_wait3A_29 = arith.constant 0 : i32
        %dma_wait3A_30 = tpu.memref_slice %arg5[%dma_wait3A, %dma_wait3A_29] : memref<10000x128xf32, #tpu.memory_space<hbm>> -> memref<10000x128xf32, #tpu.memory_space<hbm>>
        tpu.wait_indirect_dma semaphore(%arg12 : memref<!tpu.dma_semaphore, #tpu.memory_space<semaphore_mem>>) src(%dma_wait3A_30 : memref<10000x128xf32, #tpu.memory_space<hbm>>) dst(%arg10 : memref<128x128xf32, #tpu.memory_space<vmem>>)
        "tpu.region"() ({
          %run_scoped3A = tpu.sem_alloc : memref<!tpu.dma_semaphore, #tpu.memory_space<semaphore_mem>>
          %dma_start3A_32 = arith.constant 0 : i32
          %dma_start3A_33 = arith.constant 0 : i32
          %dma_start3A_34 = tpu.memref_slice %arg11[%dma_start3A_32, %dma_start3A_33] : memref<10112x128xf32, #tpu.memory_space<vmem_shared>> -> memref<10112x128xf32, #tpu.memory_space<vmem_shared>>
          tpu.enqueue_indirect_dma source(%arg10 : memref<128x128xf32, #tpu.memory_space<vmem>>) target(%dma_start3A_34 : memref<10112x128xf32, #tpu.memory_space<vmem_shared>>) offsets(%arg9 : memref<128xi32, #tpu.memory_space<vmem>>) semaphore(%run_scoped3A : memref<!tpu.dma_semaphore, #tpu.memory_space<semaphore_mem>>) {add = true}
          %dma_wait3A_35 = arith.constant 0 : i32
          %dma_wait3A_36 = arith.constant 0 : i32
          %dma_wait3A_37 = tpu.memref_slice %arg11[%dma_wait3A_35, %dma_wait3A_36] : memref<10112x128xf32, #tpu.memory_space<vmem_shared>> -> memref<10112x128xf32, #tpu.memory_space<vmem_shared>>
          tpu.wait_indirect_dma semaphore(%run_scoped3A : memref<!tpu.dma_semaphore, #tpu.memory_space<semaphore_mem>>) src(%arg10 : memref<128x128xf32, #tpu.memory_space<vmem>>) dst(%dma_wait3A_37 : memref<10112x128xf32, #tpu.memory_space<vmem_shared>>)
          tpu.yield
        }) : () -> ()
        %scan3A_31 = arith.constant 0 : i32
        scf.yield %scan3A_31 : i32
      }
      %scan3A_20 = arith.constant 80 : i32
    } else {
    }
    %barrier3A_10 = arith.constant 0 : index
    tpu.barrier barrier_id(%barrier3A_10)
    %mul3A_11 = arith.constant 632 : i32
    %mul3A_12 = arith.muli %arg1, %mul3A_11 : i32
    %mul3A_13 = arith.constant 632 : i32
    %mul3A_14 = arith.muli %arg1, %mul3A_13 : i32
    "tpu.region"() ({
      %run_scoped3A = tpu.sem_alloc : memref<!tpu.dma_semaphore, #tpu.memory_space<semaphore_mem>>
      %dma_start3A = arith.constant 0 : i32
      %dma_start3A_15 = tpu.memref_slice %arg7[%arg0, %mul3A_14, %dma_start3A] : memref<2x10112x128xf32, #tpu.memory_space<hbm>> -> memref<1x632x128xf32, #tpu.memory_space<hbm>>
      %dma_start3A_16 = tpu.memref_squeeze %dma_start3A_15 : memref<1x632x128xf32, #tpu.memory_space<hbm>> -> memref<632x128xf32, #tpu.memory_space<hbm>>
      %dma_start3A_17 = arith.constant 0 : i32
      %dma_start3A_18 = tpu.memref_slice %arg11[%mul3A_12, %dma_start3A_17] : memref<10112x128xf32, #tpu.memory_space<vmem_shared>> -> memref<632x128xf32, #tpu.memory_space<vmem_shared>>
      tpu.enqueue_dma source(%dma_start3A_18 : memref<632x128xf32, #tpu.memory_space<vmem_shared>>) target(%dma_start3A_16 : memref<632x128xf32, #tpu.memory_space<hbm>>) target_semaphore(%run_scoped3A : memref<!tpu.dma_semaphore, #tpu.memory_space<semaphore_mem>>)
      %dma_wait3A = arith.constant 0 : i32
      %dma_wait3A_19 = tpu.memref_slice %arg7[%arg0, %mul3A_14, %dma_wait3A] : memref<2x10112x128xf32, #tpu.memory_space<hbm>> -> memref<1x632x128xf32, #tpu.memory_space<hbm>>
      %dma_wait3A_20 = tpu.memref_squeeze %dma_wait3A_19 : memref<1x632x128xf32, #tpu.memory_space<hbm>> -> memref<632x128xf32, #tpu.memory_space<hbm>>
      %dma_wait3A_21 = arith.constant 0 : i32
      %dma_wait3A_22 = tpu.memref_slice %arg11[%mul3A_12, %dma_wait3A_21] : memref<10112x128xf32, #tpu.memory_space<vmem_shared>> -> memref<632x128xf32, #tpu.memory_space<vmem_shared>>
      tpu.wait_dma2 semaphore(%run_scoped3A : memref<!tpu.dma_semaphore, #tpu.memory_space<semaphore_mem>>) src(%dma_wait3A_22 : memref<632x128xf32, #tpu.memory_space<vmem_shared>>) dst(%dma_wait3A_20 : memref<632x128xf32, #tpu.memory_space<hbm>>)
      tpu.yield
    }) : () -> ()
    return
  }
}

module attributes {stable_mosaic.version = 14 : i64} {
  func.func @_tc_mm_body(%arg0: i32, %arg1: memref<1000x256xf32, #tpu.memory_space<vmem>>, %arg2: memref<256x256xf32, #tpu.memory_space<vmem>>, %arg3: memref<1000x256xf32, #tpu.memory_space<vmem>>) attributes {dimension_semantics = [#tpu.dimension_semantics<arbitrary>], iteration_bounds = array<i64: 10>, scalar_prefetch = 0 : i64, scratch_operands = 0 : i64, tpu.core_type = #tpu.core_type<tc>, window_params = [{transform_indices = @transform_0, window_bounds = array<i64: 1000, 256>}, {pipeline_mode = #tpu.pipeline_mode<synchronous>, transform_indices = @transform_1, window_bounds = array<i64: 256, 256>}, {transform_indices = @transform_2, window_bounds = array<i64: 1000, 256>}]} {
    %get3A = arith.constant 0 : index
    %get3A_0 = arith.constant 0 : index
    %get3A_1 = vector.load %arg1[%get3A, %get3A_0] : memref<1000x256xf32, #tpu.memory_space<vmem>>, vector<1000x256xf32>
    %get3A_2 = arith.constant 0 : index
    %get3A_3 = arith.constant 0 : index
    %get3A_4 = vector.load %arg2[%get3A_2, %get3A_3] : memref<256x256xf32, #tpu.memory_space<vmem>>, vector<256x256xf32>
    %dot_general3A = arith.constant dense<0.000000e+00> : vector<1000x256xf32>
    %dot_general3A_5 = tpu.matmul %get3A_1, %get3A_4, %dot_general3A {dimension_numbers = #tpu.dot_dimension_numbers<[1], [0], [0], [1], [0, 0, 1, 1], [], []>, transpose_lhs_hint = false} : vector<1000x256xf32>, vector<256x256xf32>, vector<1000x256xf32> -> vector<1000x256xf32>
    %swap3A = arith.constant 0 : index
    %swap3A_6 = arith.constant 0 : index
    %swap3A_7 = vector.load %arg3[%swap3A, %swap3A_6] : memref<1000x256xf32, #tpu.memory_space<vmem>>, vector<1000x256xf32>
    tpu.vector_store %arg3[%swap3A, %swap3A_6], %dot_general3A_5 {strides = array<i32>} : memref<1000x256xf32, #tpu.memory_space<vmem>>, vector<1000x256xf32>,
    return
  }
  func.func @transform_0(%arg0: i32) -> (i32, i32) {
    %c0_i32 = arith.constant 0 : i32
    %c0_i32_0 = arith.constant 0 : i32
    return %arg0, %c0_i32 : i32, i32
  }
  func.func @transform_1(%arg0: i32) -> (i32, i32) {
    %c0_i32 = arith.constant 0 : i32
    %c0_i32_0 = arith.constant 0 : i32
    %c0_i32_1 = arith.constant 0 : i32
    return %c0_i32, %c0_i32_0 : i32, i32
  }
  func.func @transform_2(%arg0: i32) -> (i32, i32) {
    %c0_i32 = arith.constant 0 : i32
    %c0_i32_0 = arith.constant 0 : i32
    return %arg0, %c0_i32 : i32, i32
  }
}

module attributes {stable_mosaic.version = 14 : i64} {
  func.func @_tc_scale_body(%arg0: i32, %arg1: memref<1000x1xf32, #tpu.memory_space<vmem>>, %arg2: memref<1000x256xf32, #tpu.memory_space<vmem>>, %arg3: memref<1000x128xf32, #tpu.memory_space<vmem>>, %arg4: memref<1000x128xf32, #tpu.memory_space<vmem>>) attributes {dimension_semantics = [#tpu.dimension_semantics<arbitrary>], iteration_bounds = array<i64: 10>, scalar_prefetch = 0 : i64, scratch_operands = 0 : i64, tpu.core_type = #tpu.core_type<tc>, window_params = [{transform_indices = @transform_0, window_bounds = array<i64: 1000, 1>}, {transform_indices = @transform_1, window_bounds = array<i64: 1000, 256>}, {transform_indices = @transform_2, window_bounds = array<i64: 1000, 128>}, {transform_indices = @transform_3, window_bounds = array<i64: 1000, 128>}]} {
    %get3A = arith.constant 0 : index
    %get3A_0 = arith.constant 0 : index
    %get3A_1 = vector.load %arg2[%get3A, %get3A_0] : memref<1000x256xf32, #tpu.memory_space<vmem>>, vector<1000x256xf32>
    %get3A_2 = arith.constant 0 : index
    %get3A_3 = arith.constant 0 : index
    %get3A_4 = vector.load %arg1[%get3A_2, %get3A_3] : memref<1000x1xf32, #tpu.memory_space<vmem>>, vector<1000x1xf32>
    %mul3A = vector.broadcast %get3A_4 : vector<1000x1xf32> to vector<1000x256xf32>
    %mul3A_5 = arith.mulf %get3A_1, %mul3A : vector<1000x256xf32>
    %slice3A = vector.extract_strided_slice %mul3A_5 {offsets = [0, 0], sizes = [1000, 128], strides = [1, 1]} : vector<1000x256xf32> to vector<1000x128xf32>
    %swap3A = arith.constant 0 : index
    %swap3A_6 = arith.constant 0 : index
    %swap3A_7 = vector.load %arg3[%swap3A, %swap3A_6] : memref<1000x128xf32, #tpu.memory_space<vmem>>, vector<1000x128xf32>
    tpu.vector_store %arg3[%swap3A, %swap3A_6], %slice3A {strides = array<i32>} : memref<1000x128xf32, #tpu.memory_space<vmem>>, vector<1000x128xf32>,
    %slice3A_8 = vector.extract_strided_slice %mul3A_5 {offsets = [0, 128], sizes = [1000, 128], strides = [1, 1]} : vector<1000x256xf32> to vector<1000x128xf32>
    %swap3A_9 = arith.constant 0 : index
    %swap3A_10 = arith.constant 0 : index
    %swap3A_11 = vector.load %arg4[%swap3A_9, %swap3A_10] : memref<1000x128xf32, #tpu.memory_space<vmem>>, vector<1000x128xf32>
    tpu.vector_store %arg4[%swap3A_9, %swap3A_10], %slice3A_8 {strides = array<i32>} : memref<1000x128xf32, #tpu.memory_space<vmem>>, vector<1000x128xf32>,
    return
  }
  func.func @transform_0(%arg0: i32) -> (i32, i32) {
    %c0_i32 = arith.constant 0 : i32
    %c0_i32_0 = arith.constant 0 : i32
    return %arg0, %c0_i32 : i32, i32
  }
  func.func @transform_1(%arg0: i32) -> (i32, i32) {
    %c0_i32 = arith.constant 0 : i32
    %c0_i32_0 = arith.constant 0 : i32
    return %arg0, %c0_i32 : i32, i32
  }
  func.func @transform_2(%arg0: i32) -> (i32, i32) {
    %c0_i32 = arith.constant 0 : i32
    %c0_i32_0 = arith.constant 0 : i32
    return %arg0, %c0_i32 : i32, i32
  }
  func.func @transform_3(%arg0: i32) -> (i32, i32) {
    %c0_i32 = arith.constant 0 : i32
    %c0_i32_0 = arith.constant 0 : i32
    return %arg0, %c0_i32 : i32, i32
  }
}

module attributes {stable_mosaic.version = 14 : i64} {
  func.func @_tc_mid_body(%arg0: i32, %arg1: memref<1000x1xf32, #tpu.memory_space<vmem>>, %arg2: memref<2x1000x128xf32, #tpu.memory_space<vmem>>, %arg3: memref<1000x256xf32, #tpu.memory_space<vmem>>, %arg4: memref<1x256xf32, #tpu.memory_space<vmem>>, %arg5: memref<256x256xf32, #tpu.memory_space<vmem>>, %arg6: memref<1000x256xf32, #tpu.memory_space<vmem>>, %arg7: memref<1000x128xf32, #tpu.memory_space<vmem>>, %arg8: memref<1000x128xf32, #tpu.memory_space<vmem>>) attributes {dimension_semantics = [#tpu.dimension_semantics<arbitrary>], iteration_bounds = array<i64: 10>, scalar_prefetch = 0 : i64, scratch_operands = 0 : i64, tpu.core_type = #tpu.core_type<tc>, window_params = [{transform_indices = @transform_0, window_bounds = array<i64: 1000, 1>}, {transform_indices = @transform_1, window_bounds = array<i64: 2, 1000, 128>}, {transform_indices = @transform_2, window_bounds = array<i64: 1000, 256>}, {pipeline_mode = #tpu.pipeline_mode<synchronous>, transform_indices = @transform_3, window_bounds = array<i64: 1, 256>}, {pipeline_mode = #tpu.pipeline_mode<synchronous>, transform_indices = @transform_4, window_bounds = array<i64: 256, 256>}, {transform_indices = @transform_5, window_bounds = array<i64: 1000, 256>}, {transform_indices = @transform_6, window_bounds = array<i64: 1000, 128>}, {transform_indices = @transform_7, window_bounds = array<i64: 1000, 128>}]} {
    %get3A = arith.constant 0 : index
    %get3A_0 = arith.constant 0 : index
    %get3A_1 = vector.load %arg1[%get3A, %get3A_0] : memref<1000x1xf32, #tpu.memory_space<vmem>>, vector<1000x1xf32>
    %get3A_2 = arith.constant 0 : index
    %get3A_3 = arith.constant 0 : index
    %get3A_4 = arith.constant 0 : index
    %get3A_5 = vector.load %arg2[%get3A_2, %get3A_3, %get3A_4] : memref<2x1000x128xf32, #tpu.memory_space<vmem>>, vector<1x1000x128xf32>
    %get3A_6 = vector.shape_cast %get3A_5 : vector<1x1000x128xf32> to vector<1000x128xf32>
    %get3A_7 = arith.constant 1 : index
    %get3A_8 = arith.constant 0 : index
    %get3A_9 = arith.constant 0 : index
    %get3A_10 = vector.load %arg2[%get3A_7, %get3A_8, %get3A_9] : memref<2x1000x128xf32, #tpu.memory_space<vmem>>, vector<1x1000x128xf32>
    %get3A_11 = vector.shape_cast %get3A_10 : vector<1x1000x128xf32> to vector<1000x128xf32>
    %concatenate3A = tpu.concatenate %get3A_6, %get3A_11 in 1 : vector<1000x128xf32>, vector<1000x128xf32> -> vector<1000x256xf32>
    %mul3A = vector.broadcast %get3A_1 : vector<1000x1xf32> to vector<1000x256xf32>
    %mul3A_12 = arith.mulf %concatenate3A, %mul3A : vector<1000x256xf32>
    %get3A_13 = arith.constant 0 : index
    %get3A_14 = arith.constant 0 : index
    %get3A_15 = vector.load %arg3[%get3A_13, %get3A_14] : memref<1000x256xf32, #tpu.memory_space<vmem>>, vector<1000x256xf32>
    %mul3A_16 = arith.mulf %get3A_1, %get3A_1 : vector<1000x1xf32>
    %mul3A_17 = vector.broadcast %mul3A_16 : vector<1000x1xf32> to vector<1000x256xf32>
    %mul3A_18 = arith.mulf %get3A_15, %mul3A_17 : vector<1000x256xf32>
    %add3A = arith.addf %mul3A_12, %mul3A_18 : vector<1000x256xf32>
    %get3A_19 = arith.constant 0 : index
    %get3A_20 = arith.constant 0 : index
    %get3A_21 = vector.load %arg4[%get3A_19, %get3A_20] : memref<1x256xf32, #tpu.memory_space<vmem>>, vector<1x256xf32>
    %add3A_22 = vector.broadcast %get3A_21 : vector<1x256xf32> to vector<1000x256xf32>
    %add3A_23 = arith.addf %add3A, %add3A_22 : vector<1000x256xf32>
    %get3A_24 = arith.constant 0 : index
    %get3A_25 = arith.constant 0 : index
    %get3A_26 = vector.load %arg5[%get3A_24, %get3A_25] : memref<256x256xf32, #tpu.memory_space<vmem>>, vector<256x256xf32>
    %dot_general3A = arith.constant dense<0.000000e+00> : vector<1000x256xf32>
    %dot_general3A_27 = tpu.matmul %add3A_23, %get3A_26, %dot_general3A {dimension_numbers = #tpu.dot_dimension_numbers<[1], [0], [0], [1], [0, 0, 1, 1], [], []>, transpose_lhs_hint = false} : vector<1000x256xf32>, vector<256x256xf32>, vector<1000x256xf32> -> vector<1000x256xf32>
    %swap3A = arith.constant 0 : index
    %swap3A_28 = arith.constant 0 : index
    %swap3A_29 = vector.load %arg6[%swap3A, %swap3A_28] : memref<1000x256xf32, #tpu.memory_space<vmem>>, vector<1000x256xf32>
    tpu.vector_store %arg6[%swap3A, %swap3A_28], %dot_general3A_27 {strides = array<i32>} : memref<1000x256xf32, #tpu.memory_space<vmem>>, vector<1000x256xf32>,
    %mul3A_30 = vector.broadcast %get3A_1 : vector<1000x1xf32> to vector<1000x256xf32>
    %mul3A_31 = arith.mulf %dot_general3A_27, %mul3A_30 : vector<1000x256xf32>
    %slice3A = vector.extract_strided_slice %mul3A_31 {offsets = [0, 0], sizes = [1000, 128], strides = [1, 1]} : vector<1000x256xf32> to vector<1000x128xf32>
    %swap3A_32 = arith.constant 0 : index
    %swap3A_33 = arith.constant 0 : index
    %swap3A_34 = vector.load %arg7[%swap3A_32, %swap3A_33] : memref<1000x128xf32, #tpu.memory_space<vmem>>, vector<1000x128xf32>
    tpu.vector_store %arg7[%swap3A_32, %swap3A_33], %slice3A {strides = array<i32>} : memref<1000x128xf32, #tpu.memory_space<vmem>>, vector<1000x128xf32>,
    %slice3A_35 = vector.extract_strided_slice %mul3A_31 {offsets = [0, 128], sizes = [1000, 128], strides = [1, 1]} : vector<1000x256xf32> to vector<1000x128xf32>
    %swap3A_36 = arith.constant 0 : index
    %swap3A_37 = arith.constant 0 : index
    %swap3A_38 = vector.load %arg8[%swap3A_36, %swap3A_37] : memref<1000x128xf32, #tpu.memory_space<vmem>>, vector<1000x128xf32>
    tpu.vector_store %arg8[%swap3A_36, %swap3A_37], %slice3A_35 {strides = array<i32>} : memref<1000x128xf32, #tpu.memory_space<vmem>>, vector<1000x128xf32>,
    return
  }
  func.func @transform_0(%arg0: i32) -> (i32, i32) {
    %c0_i32 = arith.constant 0 : i32
    %c0_i32_0 = arith.constant 0 : i32
    return %arg0, %c0_i32 : i32, i32
  }
  func.func @transform_1(%arg0: i32) -> (i32, i32, i32) {
    %c0_i32 = arith.constant 0 : i32
    %c0_i32_0 = arith.constant 0 : i32
    %c0_i32_1 = arith.constant 0 : i32
    return %c0_i32, %arg0, %c0_i32_0 : i32, i32, i32
  }
  func.func @transform_2(%arg0: i32) -> (i32, i32) {
    %c0_i32 = arith.constant 0 : i32
    %c0_i32_0 = arith.constant 0 : i32
    return %arg0, %c0_i32 : i32, i32
  }
  func.func @transform_3(%arg0: i32) -> (i32, i32) {
    %c0_i32 = arith.constant 0 : i32
    %c0_i32_0 = arith.constant 0 : i32
    %c0_i32_1 = arith.constant 0 : i32
    return %c0_i32, %c0_i32_0 : i32, i32
  }
  func.func @transform_4(%arg0: i32) -> (i32, i32) {
    %c0_i32 = arith.constant 0 : i32
    %c0_i32_0 = arith.constant 0 : i32
    %c0_i32_1 = arith.constant 0 : i32
    return %c0_i32, %c0_i32_0 : i32, i32
  }
  func.func @transform_5(%arg0: i32) -> (i32, i32) {
    %c0_i32 = arith.constant 0 : i32
    %c0_i32_0 = arith.constant 0 : i32
    return %arg0, %c0_i32 : i32, i32
  }
  func.func @transform_6(%arg0: i32) -> (i32, i32) {
    %c0_i32 = arith.constant 0 : i32
    %c0_i32_0 = arith.constant 0 : i32
    return %arg0, %c0_i32 : i32, i32
  }
  func.func @transform_7(%arg0: i32) -> (i32, i32) {
    %c0_i32 = arith.constant 0 : i32
    %c0_i32_0 = arith.constant 0 : i32
    return %arg0, %c0_i32 : i32, i32
  }
}

module attributes {stable_mosaic.version = 14 : i64} {
  func.func @_tc_fin_body(%arg0: i32, %arg1: memref<1000x1xf32, #tpu.memory_space<vmem>>, %arg2: memref<2x1000x128xf32, #tpu.memory_space<vmem>>, %arg3: memref<1000x256xf32, #tpu.memory_space<vmem>>, %arg4: memref<1x256xf32, #tpu.memory_space<vmem>>, %arg5: memref<256x256xf32, #tpu.memory_space<vmem>>, %arg6: memref<256x256xf32, #tpu.memory_space<vmem>>, %arg7: memref<1000x128xi32, #tpu.memory_space<vmem>>, %arg8: memref<1000x128xi32, #tpu.memory_space<vmem>>) attributes {dimension_semantics = [#tpu.dimension_semantics<arbitrary>], iteration_bounds = array<i64: 10>, scalar_prefetch = 0 : i64, scratch_operands = 0 : i64, tpu.core_type = #tpu.core_type<tc>, window_params = [{transform_indices = @transform_0, window_bounds = array<i64: 1000, 1>}, {transform_indices = @transform_1, window_bounds = array<i64: 2, 1000, 128>}, {transform_indices = @transform_2, window_bounds = array<i64: 1000, 256>}, {pipeline_mode = #tpu.pipeline_mode<synchronous>, transform_indices = @transform_3, window_bounds = array<i64: 1, 256>}, {pipeline_mode = #tpu.pipeline_mode<synchronous>, transform_indices = @transform_4, window_bounds = array<i64: 256, 256>}, {pipeline_mode = #tpu.pipeline_mode<synchronous>, transform_indices = @transform_5, window_bounds = array<i64: 256, 256>}, {transform_indices = @transform_6, window_bounds = array<i64: 1000, 128>}, {transform_indices = @transform_7, window_bounds = array<i64: 1000, 128>}]} {
    %get3A = arith.constant 0 : index
    %get3A_0 = arith.constant 0 : index
    %get3A_1 = vector.load %arg1[%get3A, %get3A_0] : memref<1000x1xf32, #tpu.memory_space<vmem>>, vector<1000x1xf32>
    %get3A_2 = arith.constant 0 : index
    %get3A_3 = arith.constant 0 : index
    %get3A_4 = arith.constant 0 : index
    %get3A_5 = vector.load %arg2[%get3A_2, %get3A_3, %get3A_4] : memref<2x1000x128xf32, #tpu.memory_space<vmem>>, vector<1x1000x128xf32>
    %get3A_6 = vector.shape_cast %get3A_5 : vector<1x1000x128xf32> to vector<1000x128xf32>
    %get3A_7 = arith.constant 1 : index
    %get3A_8 = arith.constant 0 : index
    %get3A_9 = arith.constant 0 : index
    %get3A_10 = vector.load %arg2[%get3A_7, %get3A_8, %get3A_9] : memref<2x1000x128xf32, #tpu.memory_space<vmem>>, vector<1x1000x128xf32>
    %get3A_11 = vector.shape_cast %get3A_10 : vector<1x1000x128xf32> to vector<1000x128xf32>
    %concatenate3A = tpu.concatenate %get3A_6, %get3A_11 in 1 : vector<1000x128xf32>, vector<1000x128xf32> -> vector<1000x256xf32>
    %mul3A = vector.broadcast %get3A_1 : vector<1000x1xf32> to vector<1000x256xf32>
    %mul3A_12 = arith.mulf %concatenate3A, %mul3A : vector<1000x256xf32>
    %get3A_13 = arith.constant 0 : index
    %get3A_14 = arith.constant 0 : index
    %get3A_15 = vector.load %arg3[%get3A_13, %get3A_14] : memref<1000x256xf32, #tpu.memory_space<vmem>>, vector<1000x256xf32>
    %mul3A_16 = arith.mulf %get3A_1, %get3A_1 : vector<1000x1xf32>
    %mul3A_17 = vector.broadcast %mul3A_16 : vector<1000x1xf32> to vector<1000x256xf32>
    %mul3A_18 = arith.mulf %get3A_15, %mul3A_17 : vector<1000x256xf32>
    %add3A = arith.addf %mul3A_12, %mul3A_18 : vector<1000x256xf32>
    %get3A_19 = arith.constant 0 : index
    %get3A_20 = arith.constant 0 : index
    %get3A_21 = vector.load %arg4[%get3A_19, %get3A_20] : memref<1x256xf32, #tpu.memory_space<vmem>>, vector<1x256xf32>
    %add3A_22 = vector.broadcast %get3A_21 : vector<1x256xf32> to vector<1000x256xf32>
    %add3A_23 = arith.addf %add3A, %add3A_22 : vector<1000x256xf32>
    %get3A_24 = arith.constant 0 : index
    %get3A_25 = arith.constant 0 : index
    %get3A_26 = vector.load %arg5[%get3A_24, %get3A_25] : memref<256x256xf32, #tpu.memory_space<vmem>>, vector<256x256xf32>
    %dot_general3A = arith.constant dense<0.000000e+00> : vector<1000x256xf32>
    %dot_general3A_27 = tpu.matmul %add3A_23, %get3A_26, %dot_general3A {dimension_numbers = #tpu.dot_dimension_numbers<[1], [0], [0], [1], [0, 0, 1, 1], [], []>, transpose_lhs_hint = false} : vector<1000x256xf32>, vector<256x256xf32>, vector<1000x256xf32> -> vector<1000x256xf32>
    %slice3A = vector.extract_strided_slice %dot_general3A_27 {offsets = [0, 0], sizes = [1000, 128], strides = [1, 1]} : vector<1000x256xf32> to vector<1000x128xf32>
    %bitcast_convert_type3A = tpu.bitcast %slice3A : vector<1000x128xf32> -> vector<1000x128xi32>
    %shift_right_logical3A = arith.constant 16 : i32
    %shift_right_logical3A_28 = vector.broadcast %shift_right_logical3A : i32 to vector<1000x128xi32>
    %shift_right_logical3A_29 = arith.shrui %bitcast_convert_type3A, %shift_right_logical3A_28 : vector<1000x128xi32>
    %slice3A_30 = vector.extract_strided_slice %dot_general3A_27 {offsets = [0, 128], sizes = [1000, 128], strides = [1, 1]} : vector<1000x256xf32> to vector<1000x128xf32>
    %bitcast_convert_type3A_31 = tpu.bitcast %slice3A_30 : vector<1000x128xf32> -> vector<1000x128xi32>
    %and3A = arith.constant -65536 : i32
    %and3A_32 = vector.broadcast %and3A : i32 to vector<1000x128xi32>
    %and3A_33 = arith.andi %bitcast_convert_type3A_31, %and3A_32 : vector<1000x128xi32>
    %or3A = arith.ori %shift_right_logical3A_29, %and3A_33 : vector<1000x128xi32>
    %bitcast_convert_type3A_34 = tpu.bitcast %or3A : vector<1000x128xi32> -> vector<1000x128xi32>
    %swap3A = arith.constant 0 : index
    %swap3A_35 = arith.constant 0 : index
    %swap3A_36 = vector.load %arg7[%swap3A, %swap3A_35] : memref<1000x128xi32, #tpu.memory_space<vmem>>, vector<1000x128xi32>
    tpu.vector_store %arg7[%swap3A, %swap3A_35], %bitcast_convert_type3A_34 {strides = array<i32>} : memref<1000x128xi32, #tpu.memory_space<vmem>>, vector<1000x128xi32>,
    %get3A_37 = arith.constant 0 : index
    %get3A_38 = arith.constant 0 : index
    %get3A_39 = vector.load %arg6[%get3A_37, %get3A_38] : memref<256x256xf32, #tpu.memory_space<vmem>>, vector<256x256xf32>
    %dot_general3A_40 = arith.constant dense<0.000000e+00> : vector<1000x256xf32>
    %dot_general3A_41 = tpu.matmul %add3A_23, %get3A_39, %dot_general3A_40 {dimension_numbers = #tpu.dot_dimension_numbers<[1], [0], [0], [1], [0, 0, 1, 1], [], []>, transpose_lhs_hint = false} : vector<1000x256xf32>, vector<256x256xf32>, vector<1000x256xf32> -> vector<1000x256xf32>
    %slice3A_42 = vector.extract_strided_slice %dot_general3A_41 {offsets = [0, 0], sizes = [1000, 128], strides = [1, 1]} : vector<1000x256xf32> to vector<1000x128xf32>
    %bitcast_convert_type3A_43 = tpu.bitcast %slice3A_42 : vector<1000x128xf32> -> vector<1000x128xi32>
    %shift_right_logical3A_44 = arith.constant 16 : i32
    %shift_right_logical3A_45 = vector.broadcast %shift_right_logical3A_44 : i32 to vector<1000x128xi32>
    %shift_right_logical3A_46 = arith.shrui %bitcast_convert_type3A_43, %shift_right_logical3A_45 : vector<1000x128xi32>
    %slice3A_47 = vector.extract_strided_slice %dot_general3A_41 {offsets = [0, 128], sizes = [1000, 128], strides = [1, 1]} : vector<1000x256xf32> to vector<1000x128xf32>
    %bitcast_convert_type3A_48 = tpu.bitcast %slice3A_47 : vector<1000x128xf32> -> vector<1000x128xi32>
    %and3A_49 = arith.constant -65536 : i32
    %and3A_50 = vector.broadcast %and3A_49 : i32 to vector<1000x128xi32>
    %and3A_51 = arith.andi %bitcast_convert_type3A_48, %and3A_50 : vector<1000x128xi32>
    %or3A_52 = arith.ori %shift_right_logical3A_46, %and3A_51 : vector<1000x128xi32>
    %bitcast_convert_type3A_53 = tpu.bitcast %or3A_52 : vector<1000x128xi32> -> vector<1000x128xi32>
    %swap3A_54 = arith.constant 0 : index
    %swap3A_55 = arith.constant 0 : index
    %swap3A_56 = vector.load %arg8[%swap3A_54, %swap3A_55] : memref<1000x128xi32, #tpu.memory_space<vmem>>, vector<1000x128xi32>
    tpu.vector_store %arg8[%swap3A_54, %swap3A_55], %bitcast_convert_type3A_53 {strides = array<i32>} : memref<1000x128xi32, #tpu.memory_space<vmem>>, vector<1000x128xi32>,
    return
  }
  func.func @transform_0(%arg0: i32) -> (i32, i32) {
    %c0_i32 = arith.constant 0 : i32
    %c0_i32_0 = arith.constant 0 : i32
    return %arg0, %c0_i32 : i32, i32
  }
  func.func @transform_1(%arg0: i32) -> (i32, i32, i32) {
    %c0_i32 = arith.constant 0 : i32
    %c0_i32_0 = arith.constant 0 : i32
    %c0_i32_1 = arith.constant 0 : i32
    return %c0_i32, %arg0, %c0_i32_0 : i32, i32, i32
  }
  func.func @transform_2(%arg0: i32) -> (i32, i32) {
    %c0_i32 = arith.constant 0 : i32
    %c0_i32_0 = arith.constant 0 : i32
    return %arg0, %c0_i32 : i32, i32
  }
  func.func @transform_3(%arg0: i32) -> (i32, i32) {
    %c0_i32 = arith.constant 0 : i32
    %c0_i32_0 = arith.constant 0 : i32
    %c0_i32_1 = arith.constant 0 : i32
    return %c0_i32, %c0_i32_0 : i32, i32
  }
  func.func @transform_4(%arg0: i32) -> (i32, i32) {
    %c0_i32 = arith.constant 0 : i32
    %c0_i32_0 = arith.constant 0 : i32
    %c0_i32_1 = arith.constant 0 : i32
    return %c0_i32, %c0_i32_0 : i32, i32
  }
  func.func @transform_5(%arg0: i32) -> (i32, i32) {
    %c0_i32 = arith.constant 0 : i32
    %c0_i32_0 = arith.constant 0 : i32
    %c0_i32_1 = arith.constant 0 : i32
    return %c0_i32, %c0_i32_0 : i32, i32
  }
  func.func @transform_6(%arg0: i32) -> (i32, i32) {
    %c0_i32 = arith.constant 0 : i32
    %c0_i32_0 = arith.constant 0 : i32
    return %arg0, %c0_i32 : i32, i32
  }
  func.func @transform_7(%arg0: i32) -> (i32, i32) {
    %c0_i32 = arith.constant 0 : i32
    %c0_i32_0 = arith.constant 0 : i32
    return %arg0, %c0_i32 : i32, i32
  }
}

module attributes {stable_mosaic.version = 14 : i64} {
  func.func @_tc_mlp_body(%arg0: i32, %arg1: memref<2000x128xi32, #tpu.memory_space<vmem>>, %arg2: memref<2000x128xi32, #tpu.memory_space<vmem>>, %arg3: memref<2000x16xf32, #tpu.memory_space<vmem>>, %arg4: memref<16x256xf32, #tpu.memory_space<vmem>>, %arg5: memref<1x256xf32, #tpu.memory_space<vmem>>, %arg6: memref<256x128xf32, #tpu.memory_space<vmem>>, %arg7: memref<1x128xf32, #tpu.memory_space<vmem>>, %arg8: memref<128x1xf32, #tpu.memory_space<vmem>>, %arg9: memref<1x1xf32, #tpu.memory_space<vmem>>, %arg10: memref<2000x1xf32, #tpu.memory_space<vmem>>) attributes {dimension_semantics = [#tpu.dimension_semantics<arbitrary>], iteration_bounds = array<i64: 80>, scalar_prefetch = 0 : i64, scratch_operands = 0 : i64, tpu.core_type = #tpu.core_type<tc>, window_params = [{transform_indices = @transform_0, window_bounds = array<i64: 2000, 128>}, {transform_indices = @transform_1, window_bounds = array<i64: 2000, 128>}, {transform_indices = @transform_2, window_bounds = array<i64: 2000, 16>}, {pipeline_mode = #tpu.pipeline_mode<synchronous>, transform_indices = @transform_3, window_bounds = array<i64: 16, 256>}, {pipeline_mode = #tpu.pipeline_mode<synchronous>, transform_indices = @transform_4, window_bounds = array<i64: 1, 256>}, {pipeline_mode = #tpu.pipeline_mode<synchronous>, transform_indices = @transform_5, window_bounds = array<i64: 256, 128>}, {pipeline_mode = #tpu.pipeline_mode<synchronous>, transform_indices = @transform_6, window_bounds = array<i64: 1, 128>}, {pipeline_mode = #tpu.pipeline_mode<synchronous>, transform_indices = @transform_7, window_bounds = array<i64: 128, 1>}, {pipeline_mode = #tpu.pipeline_mode<synchronous>, transform_indices = @transform_8, window_bounds = array<i64: 1, 1>}, {transform_indices = @transform_9, window_bounds = array<i64: 2000, 1>}]} {
    %get3A = arith.constant 0 : index
    %get3A_0 = arith.constant 0 : index
    %get3A_1 = vector.load %arg1[%get3A, %get3A_0] : memref<2000x128xi32, #tpu.memory_space<vmem>>, vector<2000x128xi32>
    %bitcast_convert_type3A = tpu.bitcast %get3A_1 : vector<2000x128xi32> -> vector<2000x128xi32>
    %shift_left3A = arith.constant 16 : i32
    %shift_left3A_2 = vector.broadcast %shift_left3A : i32 to vector<2000x128xi32>
    %shift_left3A_3 = arith.shli %bitcast_convert_type3A, %shift_left3A_2 : vector<2000x128xi32>
    %bitcast_convert_type3A_4 = tpu.bitcast %shift_left3A_3 : vector<2000x128xi32> -> vector<2000x128xf32>
    %and3A = arith.constant -65536 : i32
    %and3A_5 = vector.broadcast %and3A : i32 to vector<2000x128xi32>
    %and3A_6 = arith.andi %bitcast_convert_type3A, %and3A_5 : vector<2000x128xi32>
    %bitcast_convert_type3A_7 = tpu.bitcast %and3A_6 : vector<2000x128xi32> -> vector<2000x128xf32>
    %get3A_8 = arith.constant 0 : index
    %get3A_9 = arith.constant 0 : index
    %get3A_10 = vector.load %arg2[%get3A_8, %get3A_9] : memref<2000x128xi32, #tpu.memory_space<vmem>>, vector<2000x128xi32>
    %bitcast_convert_type3A_11 = tpu.bitcast %get3A_10 : vector<2000x128xi32> -> vector<2000x128xi32>
    %shift_left3A_12 = arith.constant 16 : i32
    %shift_left3A_13 = vector.broadcast %shift_left3A_12 : i32 to vector<2000x128xi32>
    %shift_left3A_14 = arith.shli %bitcast_convert_type3A_11, %shift_left3A_13 : vector<2000x128xi32>
    %bitcast_convert_type3A_15 = tpu.bitcast %shift_left3A_14 : vector<2000x128xi32> -> vector<2000x128xf32>
    %and3A_16 = arith.constant -65536 : i32
    %and3A_17 = vector.broadcast %and3A_16 : i32 to vector<2000x128xi32>
    %and3A_18 = arith.andi %bitcast_convert_type3A_11, %and3A_17 : vector<2000x128xi32>
    %bitcast_convert_type3A_19 = tpu.bitcast %and3A_18 : vector<2000x128xi32> -> vector<2000x128xf32>
    %get3A_20 = arith.constant 0 : index
    %get3A_21 = arith.constant 0 : index
    %get3A_22 = vector.load %arg3[%get3A_20, %get3A_21] : memref<2000x16xf32, #tpu.memory_space<vmem>>, vector<2000x16xf32>
    %get3A_23 = arith.constant 0 : index
    %get3A_24 = arith.constant 0 : index
    %get3A_25 = vector.load %arg4[%get3A_23, %get3A_24] : memref<16x256xf32, #tpu.memory_space<vmem>>, vector<16x256xf32>
    %dot_general3A = arith.constant dense<0.000000e+00> : vector<2000x256xf32>
    %dot_general3A_26 = tpu.matmul %get3A_22, %get3A_25, %dot_general3A {dimension_numbers = #tpu.dot_dimension_numbers<[1], [0], [0], [1], [0, 0, 1, 1], [], []>, transpose_lhs_hint = false} : vector<2000x16xf32>, vector<16x256xf32>, vector<2000x256xf32> -> vector<2000x256xf32>
    %get3A_27 = arith.constant 0 : index
    %get3A_28 = arith.constant 0 : index
    %get3A_29 = vector.load %arg5[%get3A_27, %get3A_28] : memref<1x256xf32, #tpu.memory_space<vmem>>, vector<1x256xf32>
    %add3A = vector.broadcast %get3A_29 : vector<1x256xf32> to vector<2000x256xf32>
    %add3A_30 = arith.addf %dot_general3A_26, %add3A : vector<2000x256xf32>
    %add3A_31 = arith.addf %bitcast_convert_type3A_4, %bitcast_convert_type3A_15 : vector<2000x128xf32>
    %slice3A = vector.extract_strided_slice %add3A_30 {offsets = [0, 0], sizes = [2000, 128], strides = [1, 1]} : vector<2000x256xf32> to vector<2000x128xf32>
    %add3A_32 = arith.addf %add3A_31, %slice3A : vector<2000x128xf32>
    %tanh3A = math.tanh %add3A_32 : vector<2000x128xf32>
    %add3A_33 = arith.addf %bitcast_convert_type3A_7, %bitcast_convert_type3A_19 : vector<2000x128xf32>
    %slice3A_34 = vector.extract_strided_slice %add3A_30 {offsets = [0, 128], sizes = [2000, 128], strides = [1, 1]} : vector<2000x256xf32> to vector<2000x128xf32>
    %add3A_35 = arith.addf %add3A_33, %slice3A_34 : vector<2000x128xf32>
    %tanh3A_36 = math.tanh %add3A_35 : vector<2000x128xf32>
    %get3A_37 = arith.constant 0 : index
    %get3A_38 = arith.constant 0 : index
    %get3A_39 = vector.load %arg6[%get3A_37, %get3A_38] : memref<256x128xf32, #tpu.memory_space<vmem>>, vector<128x128xf32>
    %dot_general3A_40 = arith.constant dense<0.000000e+00> : vector<2000x128xf32>
    %dot_general3A_41 = tpu.matmul %tanh3A, %get3A_39, %dot_general3A_40 {dimension_numbers = #tpu.dot_dimension_numbers<[1], [0], [0], [1], [0, 0, 1, 1], [], []>, transpose_lhs_hint = false} : vector<2000x128xf32>, vector<128x128xf32>, vector<2000x128xf32> -> vector<2000x128xf32>
    %get3A_42 = arith.constant 128 : index
    %get3A_43 = arith.constant 0 : index
    %get3A_44 = vector.load %arg6[%get3A_42, %get3A_43] : memref<256x128xf32, #tpu.memory_space<vmem>>, vector<128x128xf32>
    %dot_general3A_45 = arith.constant dense<0.000000e+00> : vector<2000x128xf32>
    %dot_general3A_46 = tpu.matmul %tanh3A_36, %get3A_44, %dot_general3A_45 {dimension_numbers = #tpu.dot_dimension_numbers<[1], [0], [0], [1], [0, 0, 1, 1], [], []>, transpose_lhs_hint = false} : vector<2000x128xf32>, vector<128x128xf32>, vector<2000x128xf32> -> vector<2000x128xf32>
    %add3A_47 = arith.addf %dot_general3A_41, %dot_general3A_46 : vector<2000x128xf32>
    %get3A_48 = arith.constant 0 : index
    %get3A_49 = arith.constant 0 : index
    %get3A_50 = vector.load %arg7[%get3A_48, %get3A_49] : memref<1x128xf32, #tpu.memory_space<vmem>>, vector<1x128xf32>
    %add3A_51 = vector.broadcast %get3A_50 : vector<1x128xf32> to vector<2000x128xf32>
    %add3A_52 = arith.addf %add3A_47, %add3A_51 : vector<2000x128xf32>
    %tanh3A_53 = math.tanh %add3A_52 : vector<2000x128xf32>
    %get3A_54 = arith.constant 0 : index
    %get3A_55 = arith.constant 0 : index
    %get3A_56 = vector.load %arg8[%get3A_54, %get3A_55] : memref<128x1xf32, #tpu.memory_space<vmem>>, vector<128x1xf32>
    %dot_general3A_57 = arith.constant dense<0.000000e+00> : vector<2000x1xf32>
    %dot_general3A_58 = tpu.matmul %tanh3A_53, %get3A_56, %dot_general3A_57 {dimension_numbers = #tpu.dot_dimension_numbers<[1], [0], [0], [1], [0, 0, 1, 1], [], []>, transpose_lhs_hint = false} : vector<2000x128xf32>, vector<128x1xf32>, vector<2000x1xf32> -> vector<2000x1xf32>
    %get3A_59 = arith.constant 0 : index
    %get3A_60 = arith.constant 0 : index
    %get3A_61 = vector.load %arg9[%get3A_59, %get3A_60] : memref<1x1xf32, #tpu.memory_space<vmem>>, vector<1x1xf32>
    %add3A_62 = vector.broadcast %get3A_61 : vector<1x1xf32> to vector<2000x1xf32>
    %add3A_63 = arith.addf %dot_general3A_58, %add3A_62 : vector<2000x1xf32>
    %swap3A = arith.constant 0 : index
    %swap3A_64 = arith.constant 0 : index
    %swap3A_65 = vector.load %arg10[%swap3A, %swap3A_64] : memref<2000x1xf32, #tpu.memory_space<vmem>>, vector<2000x1xf32>
    tpu.vector_store %arg10[%swap3A, %swap3A_64], %add3A_63 {strides = array<i32>} : memref<2000x1xf32, #tpu.memory_space<vmem>>, vector<2000x1xf32>,
    return
  }
  func.func @transform_0(%arg0: i32) -> (i32, i32) {
    %c0_i32 = arith.constant 0 : i32
    %c0_i32_0 = arith.constant 0 : i32
    return %arg0, %c0_i32 : i32, i32
  }
  func.func @transform_1(%arg0: i32) -> (i32, i32) {
    %c0_i32 = arith.constant 0 : i32
    %c0_i32_0 = arith.constant 0 : i32
    return %arg0, %c0_i32 : i32, i32
  }
  func.func @transform_2(%arg0: i32) -> (i32, i32) {
    %c0_i32 = arith.constant 0 : i32
    %c0_i32_0 = arith.constant 0 : i32
    return %arg0, %c0_i32 : i32, i32
  }
  func.func @transform_3(%arg0: i32) -> (i32, i32) {
    %c0_i32 = arith.constant 0 : i32
    %c0_i32_0 = arith.constant 0 : i32
    %c0_i32_1 = arith.constant 0 : i32
    return %c0_i32, %c0_i32_0 : i32, i32
  }
  func.func @transform_4(%arg0: i32) -> (i32, i32) {
    %c0_i32 = arith.constant 0 : i32
    %c0_i32_0 = arith.constant 0 : i32
    %c0_i32_1 = arith.constant 0 : i32
    return %c0_i32, %c0_i32_0 : i32, i32
  }
  func.func @transform_5(%arg0: i32) -> (i32, i32) {
    %c0_i32 = arith.constant 0 : i32
    %c0_i32_0 = arith.constant 0 : i32
    %c0_i32_1 = arith.constant 0 : i32
    return %c0_i32, %c0_i32_0 : i32, i32
  }
  func.func @transform_6(%arg0: i32) -> (i32, i32) {
    %c0_i32 = arith.constant 0 : i32
    %c0_i32_0 = arith.constant 0 : i32
    %c0_i32_1 = arith.constant 0 : i32
    return %c0_i32, %c0_i32_0 : i32, i32
  }
  func.func @transform_7(%arg0: i32) -> (i32, i32) {
    %c0_i32 = arith.constant 0 : i32
    %c0_i32_0 = arith.constant 0 : i32
    %c0_i32_1 = arith.constant 0 : i32
    return %c0_i32, %c0_i32_0 : i32, i32
  }
  func.func @transform_8(%arg0: i32) -> (i32, i32) {
    %c0_i32 = arith.constant 0 : i32
    %c0_i32_0 = arith.constant 0 : i32
    %c0_i32_1 = arith.constant 0 : i32
    return %c0_i32, %c0_i32_0 : i32, i32
  }
  func.func @transform_9(%arg0: i32) -> (i32, i32) {
    %c0_i32 = arith.constant 0 : i32
    %c0_i32_0 = arith.constant 0 : i32
    return %arg0, %c0_i32 : i32, i32
  }
}

</mosaic_0001>

<sc_bundles>
// kernel: kernel.11.cloned.1.call-start
scs
__scs_entry_jumppad:
0x0: {  	(pc) =	sbr.rel $0x88, $3  }
0x1: {  	(tag) =	ssettag $0x0;
	lr =	simm.s32 $0x1  }
0x2: {  	[smem:$0x3F94] =	sst lr;
	_ =	strace $0xD0000000  }
0x3: {  	_ = 	snop  }
0x4: {  	_ = 	snop  }
0x5: {  	_ = 	snop  }
0x6: {  	_ = 	snop  }
0x7: {  	_ = 	snop  }
__scs_overlays_trampoline_lowered:
0x8: {  	[smem:$0x3FA3] =	sst s0  }
0x9: {  	[smem:$0x3FA4] =	sst s1  }
0xa: {  	[smem:$0x3FA5] =	sst s2  }
0xb: {  	[smem:$0x3FA6] =	sst s3  }
0xc: {  	[smem:$0x3FA7] =	sst s4  }
0xd: {  	[smem:$0x3FA8] =	sst s5  }
0xe: {  	[smem:$0x3FA9] =	sst s6  }
0xf: {  	[smem:$0x3FAA] =	sst s7  }
0x10: {  	[smem:$0x3FAB] =	sst s8  }
0x11: {  	[smem:$0x3FAC] =	sst s9;
	s0 =	simm.s32 @!p0 $0x0  }
0x12: {  	s1 =	sld [smem:$0x3F92];
	s0 =	simm.s32 @p0 $0x1  }
0x13: {  	[smem:$0x3FAD] =	sst s0;
	s0 =	simm.s32 @!p1 $0x0  }
0x14: {  	s2 =	sld [smem:$0x3F91];
	s0 =	simm.s32 @p1 $0x1  }
0x15: {  	[smem:$0x3FAE] =	sst s0;
	s0 =	simm.s32 @!p2 $0x0  }
0x16: {  	s3 =	sld [smem:$0x3FDB];
	s0 =	simm.s32 @p2 $0x1  }
0x17: {  	s4 =	simm.s32 $0x1BF5;
	[smem:$0x3FB0] =	sst s0  }
0x18: {  	s0 =	sld [smem:$0x3F93];
	_ =	swait.ge [sflag:s4], $0x0  }
0x19: {  	s7 =	sld [smem:$0x3F94]  }
0x1a: {  	s8 =	sadd.s32 $0xFFFFE003, lr  }
0x1b: {  	s9 =	sadd.s32 $0xFFFFFEF7, lr;
	s5 =	simm.s32 $0xFFFFFFFF;
	p2 =	slt.u32 s8, $0xFFFFF086  }
0x1c: {  	p1 =	slt.u32 s9, $0xF7A;
	s5 =	simm.s32 @!p2 $0x0  }
0x1d: {  	s5 =	simm.s32 @p1 $0x1;
	p0 =	seq.s32 s7, s2  }
0x1e: {  	s7 =	smul.u32 @!p0 $0xF7A, s2;
	p2 =	seq.s32 @!p0 s5, $0x0  }
0x1f: {  	s9 =	smul.u32 $0xF7A, s1;
	s8 =	simm.s32 @!p0 $0x1BF5;
	p2 =	por !p2, p0  }
0x20: {  	[sflag:s8] =	ssyncset.s32 @!p0 $0xFFFFF086;
	s6 =	sadd.s32 @!p0 s3, s7;
	s7 =	simm.s32 @!p0 $0x108  }
0x21: {  	s3 =	sadd.s32 s3, s9;
	s6 =	sadd.s32 @!p0 $0x88, s6;
	s7 =	simm.s32 @p2 $0x1082  }
0x22: {  	[simem:s7], [sflag:s8] =	dma.local @!p0 [hbm:s6], $0xF7A  }
0x23: {  	s9 =	sor.u32 $0xD0000000, s2;
	s6 =	simm.s32 $0x108;
	_ =	swait.ge @!p0 [sflag:s8], $0x0  }
0x24: {  	s3 =	sadd.s32 $0x88, s3;
	s6 =	simm.s32 @!p1 $0x1082;
	[sflag:s4] =	ssyncset.s32 $0xFFFFF086  }
0x25: {  	[simem:s6], [sflag:s4] =	dma.local [hbm:s3], $0xF7A  }
0x26: {  	[smem:$0x3F94] =	sst s1;
	(tag) =	ssettag s2;
	_ =	strace s9  }
0x27: {  	s1 =	sld [smem:$0x3FA4]  }
0x28: {  	s2 =	sld [smem:$0x3FA5]  }
0x29: {  	s4 =	sld [smem:$0x3FA7]  }
0x2a: {  	p0 =	seq.s32 s5, $0x0;
	s5 =	sld [smem:$0x3FA8]  }
0x2b: {  	s6 =	sld [smem:$0x3FA9]  }
0x2c: {  	s7 =	sld [smem:$0x3FAA]  }
0x2d: {  	s3 =	simm.s32 $0x108;
	s8 =	sld [smem:$0x3FAB]  }
0x2e: {  	s3 =	simm.s32 @!p0 $0x1082;
	s9 =	sld [smem:$0x3FAC]  }
0x2f: {  	lr =	sadd.s32 s0, s3;
	s0 =	sld [smem:$0x3FA3]  }
0x30: {  	s3 =	sld [smem:$0x3FA6]  }
0x31: {  	[smem:$0x3FAF] =	sst s10  }
0x32: {  	s10 =	sld [smem:$0x3FAD];
	_ =	sdelay $0x3  }
0x33: {  	p0 =	seq.s32 s10, $0x1;
	s10 =	sld [smem:$0x3FAF];
	_ =	sdelay $0x3  }
0x34: {  	[smem:$0x3FAF] =	sst s10  }
0x35: {  	s10 =	sld [smem:$0x3FAE];
	_ =	sdelay $0x3  }
0x36: {  	p1 =	seq.s32 s10, $0x1;
	s10 =	sld [smem:$0x3FAF];
	_ =	sdelay $0x3  }
0x37: {  	[smem:$0x3FAF] =	sst s10  }
0x38: {  	s10 =	sld [smem:$0x3FB0]  }
0x39: {  	_ = 	snop;
	(pc) =	sbr.ind lr, $3  }
0x3a: {  	_ = 	snop  }
0x3b: {  	_ = 	snop  }
0x3c: {  	p2 =	seq.s32 s10, $0x1;
	s10 =	sld [smem:$0x3FAF]  }
0x3d: {  	_ =	shalt  }
0x3e: {  	_ =	shalt  }
0x3f: {  	_ =	shalt  }
0x40: {  	_ =	shalt  }
0x41: {  	_ =	shalt  }
0x42: {  	_ =	shalt  }
0x43: {  	_ =	shalt  }
0x44: {  	_ =	shalt  }
0x45: {  	_ =	shalt  }
0x46: {  	_ =	shalt  }
0x47: {  	_ =	shalt  }
0x48: {  	_ =	shalt  }
0x49: {  	_ =	shalt  }
0x4a: {  	_ =	shalt  }
0x4b: {  	_ =	shalt  }
0x4c: {  	_ =	shalt  }
0x4d: {  	_ =	shalt  }
0x4e: {  	_ =	shalt  }
0x4f: {  	_ =	shalt  }
0x50: {  	_ =	shalt  }
0x51: {  	_ =	shalt  }
0x52: {  	_ =	shalt  }
0x53: {  	_ =	shalt  }
0x54: {  	_ =	shalt  }
0x55: {  	_ =	shalt  }
0x56: {  	_ =	shalt  }
0x57: {  	_ =	shalt  }
0x58: {  	_ =	shalt  }
0x59: {  	_ =	shalt  }
0x5a: {  	_ =	shalt  }
0x5b: {  	_ =	shalt  }
0x5c: {  	_ =	shalt  }
0x5d: {  	_ =	shalt  }
0x5e: {  	_ =	shalt  }
0x5f: {  	_ =	shalt  }
0x60: {  	_ =	shalt  }
0x61: {  	_ =	shalt  }
0x62: {  	_ =	shalt  }
0x63: {  	_ =	shalt  }
0x64: {  	_ =	shalt  }
0x65: {  	_ =	shalt  }
0x66: {  	_ =	shalt  }
0x67: {  	_ =	shalt  }
0x68: {  	_ =	shalt  }
0x69: {  	_ =	shalt  }
0x6a: {  	_ =	shalt  }
0x6b: {  	_ =	shalt  }
0x6c: {  	_ =	shalt  }
0x6d: {  	_ =	shalt  }
0x6e: {  	_ =	shalt  }
0x6f: {  	_ =	shalt  }
0x70: {  	_ =	shalt  }
0x71: {  	_ =	shalt  }
0x72: {  	_ =	shalt  }
0x73: {  	_ =	shalt  }
0x74: {  	_ =	shalt  }
0x75: {  	_ =	shalt  }
0x76: {  	_ =	shalt  }
0x77: {  	_ =	shalt  }
0x78: {  	_ =	shalt  }
0x79: {  	_ =	shalt  }
0x7a: {  	_ =	shalt  }
0x7b: {  	_ =	shalt  }
0x7c: {  	_ =	shalt  }
0x7d: {  	_ =	shalt  }
0x7e: {  	_ =	shalt  }
0x7f: {  	_ =	shalt  }
0x80: {  	_ =	shalt  }
0x81: {  	_ =	shalt  }
0x82: {  	_ =	shalt  }
0x83: {  	_ =	shalt  }
0x84: {  	_ =	shalt  }
0x85: {  	_ =	shalt  }
0x86: {  	_ =	shalt  }
0x87: {  	_ =	shalt  }
.Lfunc_end0:
.L_simem_size_0:
called_computation_lowered:
.L_overlay_start_0:
0x88: {  	s2 =	sld [smem:$0x3FD9]  }
0x89: {  	s3 =	sld [smem:$0x3FFE];
	_ =	sdelay $0x1  }
0x8a: {  	s1 =	srdreg.scid  }
0x8b: {  	s0 =	sand.u32 $0x1, s1  }
0x8c: {  	s17 =	sshll.u32 s0, $0xA;
	s2 =	sadd.s32 s3, s2  }
0x8d: {  	s2 =	sadd.s32 s2, s17  }
0x8e: {  	[smem:$0x3FBB] =	sst s2  }
0x8f: {  	_ = 	snop  }
0x90: {  	s2 =	sld [smem:$0x3FD0];
	(tm) =	ssettm $0x1  }
0x91: {  	s18 =	sld [smem:$0x3FFB];
	_ =	sdelay $0x3  }
0x92: {  	_ =	strace s18  }
0x93: {  	s3 =	sld [smem:$0x3FFC];
	_ =	sdelay $0x3  }
0x94: {  	_ =	strace s3  }
0x95: {  	s3 =	sld [smem:$0x3FFD];
	_ =	sdelay $0x3  }
0x96: {  	_ =	strace s3  }
0x97: {  	_ =	strace $0x8FFFFFFF  }
0x98: {  	s19 =	sld [smem:$0x3FDB];
	_ =	sdelay $0x1  }
0x99: {  	s4 =	simm.s32 $_scs_section_size  }
0x9a: {  	s5 =	simm.s32 $_size__tile_overlayer_lowered;
	s6 =	simm.s32 $_tile_overlayer_lowered  }
0x9b: {  	s22 =	simm.s32 $0x1BFF;
	s21 =	sshll.u32 s6, $0x1;
	s3 =	sadd.s32 s4, s19  }
0x9c: {  	s7 =	simm.s32 $0x0;
	s20 =	sshll.u32 s5, $0x1;
	s5 =	sadd.s32 s21, s3  }
0x9d: {  	[timem:s7], [sflag:s22] =	dma.local [hbm:s5], s20  }
0x9e: {  	_ =	swait.ge [sflag:s22], s20  }
0x9f: {  	s4 =	ssub.s32 $0x0, s20;
	[sflag:s22] =	ssyncset.done $0x0  }
0xa0: {  	[sflag:s22] =	ssyncadd.s32 s4;
	_ =	sdelay $0x1  }
0xa1: {  	s23 =	simm.s32 $0x1B8B  }
0xa2: {  	_ =	swait.ge [sflag:s23], $0x1  }
0xa3: {  	[sflag:s23] =	ssyncset.done $0x0  }
0xa4: {  	s25 =	simm.s32 $0x1B8E;
	s24 =	sld [smem:$0x3FFE];
	[sflag:s23] =	ssyncadd.s32 $0xFFFFFFFF  }
0xa5: {  	s26 =	simm.s32 $execute0_lowered;
	[smem:$0x3FD2] =	sst s25  }
0xa6: {  	s5 =	sshll.u32 s26, $0x1;
	_ =	strace $0x80000046;
	[dreg:$0x1] =	wrdreg $0xFFFFFFFF  }
0xa7: {  	s28 =	simm.s32 $_size_execute0_lowered;
	s3 =	sadd.s32 s3, s5;
	[dreg:$0x0] =	wrdreg $0x0  }
0xa8: {  	s5 =	sshll.u32 s28, $0x1;
	[dreg:$0x2] =	wrdreg s3  }
0xa9: {  	[dreg:$0x3] =	wrdreg s5  }
0xaa: {  	[dreg:$0x4] =	wrdreg $0xC0  }
0xab: {  	_ =	task [dreg:s7], $0x5FFFF  }
0xac: {  	[dreg:$0x1] =	wrdreg $0xFFFFFFFF  }
0xad: {  	[dreg:$0x0] =	wrdreg $0x60  }
0xae: {  	[dreg:$0x2] =	wrdreg s24  }
0xaf: {  	[dreg:$0x3] =	wrdreg s2  }
0xb0: {  	[dreg:$0x4] =	wrdreg $0x40800  }
0xb1: {  	[dreg:$0x5] =	wrdreg $0x9  }
0xb2: {  	_ =	task.clear_ibuf [dreg:s7], $0x6FFFF;
	_ =	strace $0x90000046  }
0xb3: {  	s29 =	simm.s32 $0x9;
	_ =	strace $0x80000048  }
0xb4: {  	_ =	swait.ge [sflag:s29], $0x1  }
0xb5: {  	[sflag:s29] =	ssyncadd.s32 $0xFFFFFFFF  }
0xb6: {  	_ =	strace $0x90000048  }
0xb7: {  	_ =	sfence  }
0xb8: {  	s30 =	sld [smem:$0x0];
	_ =	sdelay $0x2  }
0xb9: {  	s31 =	sshll.u32 s1, $0xD;
	s1 =	sshrl.u32 s1, $0x2  }
0xba: {  	s3 =	sand.u32 $0x4000, s31;
	s1 =	sadd.s32 s1, s30  }
0xbb: {  	s0 =	sor.u32 s3, s0;
	s1 =	sshll.u32 s1, $0x11  }
0xbc: {  	s0 =	sor.u32 s1, s0  }
0xbd: {  	s0 =	sadd.s32 $0x8F2B, s0  }
0xbe: {  	[sflag:s0] =	ssyncadd.remote.s32 $0x1  }
0xbf: {  	_ =	sfence.sel $0xFFFF  }
0xc0: {  	[dreg:$0x0] =	wrdreg $0xFFFFFFFF;
	(pc) =	sbr.abs _section_cstart, $3  }
0xc1: {  	[dreg:$0x1] =	wrdreg $0xFFFFFFFF  }
0xc2: {  	_ =	task.clear_ibuf [dreg:s7], $0x2FFFF;
	_ =	strace $0x9FFFFFFF  }
0xc3: {  	(tm) =	ssettm $0x7FFFFFFF  }
tec
execute0_lowered:
.L_overlay_start_1:
0x0: {  	(tag) =	ssettag $0x1  }
0x1: {  	s5 =	rddreg [dreg:$0x0]  }
0x2: {  	s2 =	rddreg [dreg:$0x1]  }
0x3: {  	s3 =	rddreg [dreg:$0x2]  }
0x4: {  	s0 =	rddreg [dreg:$0x3];
	s1 =	stileid.u32  }
0x5: {  	s6 =	srdreg.scid;
	s4 =	simm.s32 $0x0;
	s7 =	smul.u32 $0x13C00, s1  }
0x6: {  	s10 =	sand.u32 $0x1, s6;
	[smem:$0x7FF] =	sst s4;
	s11 =	smul.u32 $0x4F000, s1  }
0x7: {  	s8 =	sshll.u32 s1, $0x4;
	s31 =	sshll.u32 s1, $0x6;
	s6 =	smul.u32 $0x13C000, s10  }
0x8: {  	_ =	strace $0x80000047;
	s8 =	sadd.s32 s8, s5;
	s26 =	ssub.s32 $0x2, s10  }
0x9: {  	s29 =	sshll.u32 s10, $0x4;
	s10 =	sshll.u32 s10, $0x8;
	s9 =	sshrl.u32 s7, $0x3  }
0xa: {  	s28 =	sshrl.u32 s26, $0x1;
	s14 =	sor.u32 s1, s29;
	s30 =	sshrl.u32 s11, $0x2  }
0xb: {  	s15 =	sadd.s32 $0x4200, s8;
	s9 =	sadd.s32 s9, s5;
	s6 =	sadd.s32 s7, s6  }
0xc: {  	s13 =	ssub.s32 s26, s28;
	s11 =	sadd.s32 s30, s3;
	s7 =	sadd.s32 $0x9000, s8  }
0xd: {  	s10 =	sadd.s32 s10, s15;
	p0 =	sgt.u32 s14, $0x1;
	s6 =	sshrl.u32 s6, $0x3  }
0xe: {  	s14 =	simm.s32 $0x0;
	s11 =	sshrl.u32 s11, $0x3;
	s12 =	sadd.s32 s6, s5  }
0xf: {  	s5 =	sadd.s32 $0x9200, s9;
	s6 =	sor.u32 $0x1C01, s31;
	s9 =	smax.u32 s13, $0x1  }
0x10: {  	s13 =	simm.s32 $0x80;
	s8 =	sadd.s32 $0x30A00, s12;
	s12 =	simm.s32 $0x1  }
.LBB2_1:
0x11: {  	[spmem:s11], [sflag:s6] =	dma.local [hbm:s5], $0x2780  }
0x12: {  	_ =	swait.ge [sflag:s12], $0x2780  }
0x13: {  	[sflag:s12] =	ssyncset.done $0x0  }
0x14: {  	[sflag:s12] =	ssyncadd.s32 $0xFFFFD880  }
0x15: {  	[tilespmem:s13], [sflag:$0x1] =	stream.linear.gather [hbm4b:s2+s4], $0x4000, $0x38;
	[tilespmem:$0x17C80] =	vst v63  }
0x16: {  	_ =	swait.ge [sflag:s12], $0x4000  }
0x17: {  	[sflag:s12] =	ssyncset.done $0x0  }
0x18: {  	[sflag:s12] =	ssyncadd.s32 $0xFFFFC000  }
0x19: {  	s15 =	sadd.s32 $0x0, s10;
	[bflag:$0x0] =	sbarrier.arrive $0xFFFF  }
0x1a: {  	[tilespmem:s4], [sflag:$0x1] =	stream.linear.gather [hbm4b:s15+s4], $0x80, $0x38;
	[tilespmem:$0x17C80] =	vst v63  }
0x1b: {  	_ =	swait.ge [sflag:s12], $0x80  }
0x1c: {  	[sflag:s12] =	ssyncset.done $0x0  }
0x1d: {  	[sflag:s12] =	ssyncadd.s32 $0xFFFFFF80  }
0x1e: {  	[spmem:s3] =	stream.indirect.scatter.add.f32 [tilespmem:s13], [sflag:$0x1], $0x80, s4, s13, $0xb8;
	[tilespmem:$0x17C80] =	vst v63  }
0x1f: {  	_ =	swait.ge [sflag:s12], $0x4000  }
0x20: {  	s16 =	simm.s32 $0x400;
	s15 =	simm.s32 $0x200;
	[sflag:s12] =	ssyncset.done $0x0  }
.LBB2_2:
0x21: {  	s17 =	sadd.s32 s15, s10  }
0x22: {  	[sflag:s12] =	ssyncadd.s32 $0xFFFFC000;
	s15 =	smov.u32 s16;
	s18 =	sadd.s32 $0x200, s16  }
0x23: {  	[tilespmem:s4], [sflag:$0x1] =	stream.linear.gather [hbm4b:s17+s4], $0x80, $0x38;
	[tilespmem:$0x17C80] =	vst v63  }
0x24: {  	p1 =	sne.s32 s16, $0x4C00;
	_ =	swait.ge [sflag:s12], $0x80  }
.Ltmp0:
0x25: {  	[sflag:s12] =	ssyncset.done $0x0;
	(pc) =	sbr.rel @p1 .LBB2_2-.Ltmp0, $4  }
0x26: {  	[sflag:s12] =	ssyncadd.s32 $0xFFFFFF80  }
0x27: {  	[spmem:s3] =	stream.indirect.scatter.add.f32 [tilespmem:s13], [sflag:$0x1], $0x80, s4, s13, $0xb8;
	[tilespmem:$0x17C80] =	vst v63  }
0x28: {  	_ =	swait.ge [sflag:s12], $0x4000  }
0x29: {  	s16 =	smov.u32 s18;
	[sflag:s12] =	ssyncset.done $0x0  }
0x2a: {  	s15 =	sadd.s32 s15, s10;
	[sflag:s12] =	ssyncadd.s32 $0xFFFFC000  }
0x2b: {  	[tilespmem:s4], [sflag:$0x1] =	stream.linear.gather [hbm4b:s15+s4], $0x80, $0x38;
	[tilespmem:$0x17C80] =	vst v63  }
0x2c: {  	_ =	swait.ge [sflag:s12], $0x80  }
0x2d: {  	[sflag:s12] =	ssyncset.done $0x0  }
0x2e: {  	[sflag:s12] =	ssyncadd.s32 $0xFFFFFF80  }
0x2f: {  	[spmem:s3] =	stream.indirect.scatter.add.f32 [tilespmem:s13], [sflag:$0x1], $0x80, s4, s13, $0xb8;
	[tilespmem:$0x17C80] =	vst v63  }
0x30: {  	_ =	swait.ge [sflag:s12], $0x4000  }
0x31: {  	[sflag:s12] =	ssyncset.done $0x0  }
0x32: {  	s16 =	simm.s32 @!p0 $0x1;
	s15 =	simm.s32 @!p0 $0x0;
	[sflag:s12] =	ssyncadd.s32 $0xFFFFC000  }
0x33: {  	[tilespmem:s15], [sflag:$0x1] =	stream.linear.gather @!p0 [hbm4b:s7+s15], $0x80, $0x38;
	[tilespmem:$0x17C80] =	vst v63  }
0x34: {  	_ =	swait.ge @!p0 [sflag:s16], $0x80  }
0x35: {  	[sflag:s16] =	ssyncset.done @!p0 $0x0  }
0x36: {  	s17 =	simm.s32 @!p0 $0x80;
	[sflag:s16] =	ssyncadd.s32 @!p0 $0xFFFFFF80  }
0x37: {  	[spmem:s3] =	stream.indirect.scatter.add.f32 @!p0 [tilespmem:s17], [sflag:$0x1], $0x80, s15, s17, $0xb8;
	[tilespmem:$0x17C80] =	vst v63  }
0x38: {  	_ =	swait.ge @!p0 [sflag:s16], $0x4000  }
0x39: {  	s14 =	sadd.s32 $0x1, s14;
	[sflag:s16] =	ssyncset.done @!p0 $0x0  }
0x3a: {  	p1 =	sne.s32 s14, s9;
	[sflag:s16] =	ssyncadd.s32 @!p0 $0xFFFFC000  }
.Ltmp1:
0x3b: {  	[bflag:$0x0] =	sbarrier.arrive $0xFFFF;
	(pc) =	sbr.rel @p1 .LBB2_1-.Ltmp1, $4  }
0x3c: {  	[hbm:s8], [sflag:s6] =	dma.local [spmem:s11], $0x2780  }
0x3d: {  	_ =	swait.ge [sflag:s12], $0x2780  }
0x3e: {  	[sflag:s12] =	ssyncset.done $0x0  }
0x3f: {  	[sflag:s12] =	ssyncadd.s32 $0xFFFFD880  }
0x40: {  	_ =	sfence.sel $0x180000  }
0x41: {  	[bflag:$0x0] =	sbarrier.arrive $0xFFFF  }
0x42: {  	p0 =	sne.s32 s1, $0x0;
	_ =	strace $0x90000047  }
0x43: {  	s0 =	sadd.s32 @!p0 $0x100000, s0;
	[bflag:$0x2] =	sbarrier.arrive $0xFFFF  }
0x44: {  	[sflag:s0] =	ssyncadd.tile.s32 @!p0 $0x1;
	_ =	shalt  }
.Lfunc_end2:
_tile_overlayer_lowered:
.L_overlay_start_2:
0x45: {  	(tag) =	ssettag $0x2  }
0x46: {  	s0 =	rddreg [dreg:$0x0];
	s2 =	stileid.u32  }
0x47: {  	s1 =	rddreg [dreg:$0x1];
	p0 =	sne.s32 s2, $0x0  }
0x48: {  	s3 =	rddreg [dreg:$0x2];
	[bflag:$0x3] =	sbarrier.arrive $0xFFFF;
	s2 =	simm.s32 @!p0 $0x1C01  }
0x49: {  	[timem:s3], [sflag:s2] =	dma.local @!p0 [hbm:s0], s1  }
0x4a: {  	s0 =	simm.s32 @!p0 $0x1  }
0x4b: {  	_ =	swait.ge @!p0 [sflag:s0], s1  }
0x4c: {  	s1 =	ssub.s32 @!p0 $0x0, s1;
	[sflag:s0] =	ssyncset.done @!p0 $0x0  }
0x4d: {  	[sflag:s0] =	ssyncadd.s32 @!p0 s1  }
0x4e: {  	[bflag:$0x3] =	sbarrier.arrive $0xFFFF  }
0x4f: {  	_ =	shalt  }

// kernel: kernel.14.cloned.1.call-start
scs
__scs_entry_jumppad:
0x0: {  	(pc) =	sbr.rel $0x88, $3  }
0x1: {  	(tag) =	ssettag $0x0;
	lr =	simm.s32 $0x1  }
0x2: {  	[smem:$0x3F94] =	sst lr;
	_ =	strace $0xD0000000  }
0x3: {  	_ = 	snop  }
0x4: {  	_ = 	snop  }
0x5: {  	_ = 	snop  }
0x6: {  	_ = 	snop  }
0x7: {  	_ = 	snop  }
__scs_overlays_trampoline_lowered:
0x8: {  	[smem:$0x3FA3] =	sst s0  }
0x9: {  	[smem:$0x3FA4] =	sst s1  }
0xa: {  	[smem:$0x3FA5] =	sst s2  }
0xb: {  	[smem:$0x3FA6] =	sst s3  }
0xc: {  	[smem:$0x3FA7] =	sst s4  }
0xd: {  	[smem:$0x3FA8] =	sst s5  }
0xe: {  	[smem:$0x3FA9] =	sst s6  }
0xf: {  	[smem:$0x3FAA] =	sst s7  }
0x10: {  	[smem:$0x3FAB] =	sst s8  }
0x11: {  	[smem:$0x3FAC] =	sst s9;
	s0 =	simm.s32 @!p0 $0x0  }
0x12: {  	s1 =	sld [smem:$0x3F92];
	s0 =	simm.s32 @p0 $0x1  }
0x13: {  	[smem:$0x3FAD] =	sst s0;
	s0 =	simm.s32 @!p1 $0x0  }
0x14: {  	s2 =	sld [smem:$0x3F91];
	s0 =	simm.s32 @p1 $0x1  }
0x15: {  	[smem:$0x3FAE] =	sst s0;
	s0 =	simm.s32 @!p2 $0x0  }
0x16: {  	s3 =	sld [smem:$0x3FDB];
	s0 =	simm.s32 @p2 $0x1  }
0x17: {  	s4 =	simm.s32 $0x1BF5;
	[smem:$0x3FB0] =	sst s0  }
0x18: {  	s0 =	sld [smem:$0x3F93];
	_ =	swait.ge [sflag:s4], $0x0  }
0x19: {  	s7 =	sld [smem:$0x3F94]  }
0x1a: {  	s8 =	sadd.s32 $0xFFFFE003, lr  }
0x1b: {  	s9 =	sadd.s32 $0xFFFFFEF7, lr;
	s5 =	simm.s32 $0xFFFFFFFF;
	p2 =	slt.u32 s8, $0xFFFFF086  }
0x1c: {  	p1 =	slt.u32 s9, $0xF7A;
	s5 =	simm.s32 @!p2 $0x0  }
0x1d: {  	s5 =	simm.s32 @p1 $0x1;
	p0 =	seq.s32 s7, s2  }
0x1e: {  	s7 =	smul.u32 @!p0 $0xF7A, s2;
	p2 =	seq.s32 @!p0 s5, $0x0  }
0x1f: {  	s9 =	smul.u32 $0xF7A, s1;
	s8 =	simm.s32 @!p0 $0x1BF5;
	p2 =	por !p2, p0  }
0x20: {  	[sflag:s8] =	ssyncset.s32 @!p0 $0xFFFFF086;
	s6 =	sadd.s32 @!p0 s3, s7;
	s7 =	simm.s32 @!p0 $0x108  }
0x21: {  	s3 =	sadd.s32 s3, s9;
	s6 =	sadd.s32 @!p0 $0x88, s6;
	s7 =	simm.s32 @p2 $0x1082  }
0x22: {  	[simem:s7], [sflag:s8] =	dma.local @!p0 [hbm:s6], $0xF7A  }
0x23: {  	s9 =	sor.u32 $0xD0000000, s2;
	s6 =	simm.s32 $0x108;
	_ =	swait.ge @!p0 [sflag:s8], $0x0  }
0x24: {  	s3 =	sadd.s32 $0x88, s3;
	s6 =	simm.s32 @!p1 $0x1082;
	[sflag:s4] =	ssyncset.s32 $0xFFFFF086  }
0x25: {  	[simem:s6], [sflag:s4] =	dma.local [hbm:s3], $0xF7A  }
0x26: {  	[smem:$0x3F94] =	sst s1;
	(tag) =	ssettag s2;
	_ =	strace s9  }
0x27: {  	s1 =	sld [smem:$0x3FA4]  }
0x28: {  	s2 =	sld [smem:$0x3FA5]  }
0x29: {  	s4 =	sld [smem:$0x3FA7]  }
0x2a: {  	p0 =	seq.s32 s5, $0x0;
	s5 =	sld [smem:$0x3FA8]  }
0x2b: {  	s6 =	sld [smem:$0x3FA9]  }
0x2c: {  	s7 =	sld [smem:$0x3FAA]  }
0x2d: {  	s3 =	simm.s32 $0x108;
	s8 =	sld [smem:$0x3FAB]  }
0x2e: {  	s3 =	simm.s32 @!p0 $0x1082;
	s9 =	sld [smem:$0x3FAC]  }
0x2f: {  	lr =	sadd.s32 s0, s3;
	s0 =	sld [smem:$0x3FA3]  }
0x30: {  	s3 =	sld [smem:$0x3FA6]  }
0x31: {  	[smem:$0x3FAF] =	sst s10  }
0x32: {  	s10 =	sld [smem:$0x3FAD];
	_ =	sdelay $0x3  }
0x33: {  	p0 =	seq.s32 s10, $0x1;
	s10 =	sld [smem:$0x3FAF];
	_ =	sdelay $0x3  }
0x34: {  	[smem:$0x3FAF] =	sst s10  }
0x35: {  	s10 =	sld [smem:$0x3FAE];
	_ =	sdelay $0x3  }
0x36: {  	p1 =	seq.s32 s10, $0x1;
	s10 =	sld [smem:$0x3FAF];
	_ =	sdelay $0x3  }
0x37: {  	[smem:$0x3FAF] =	sst s10  }
0x38: {  	s10 =	sld [smem:$0x3FB0]  }
0x39: {  	_ = 	snop;
	(pc) =	sbr.ind lr, $3  }
0x3a: {  	_ = 	snop  }
0x3b: {  	_ = 	snop  }
0x3c: {  	p2 =	seq.s32 s10, $0x1;
	s10 =	sld [smem:$0x3FAF]  }
0x3d: {  	_ =	shalt  }
0x3e: {  	_ =	shalt  }
0x3f: {  	_ =	shalt  }
0x40: {  	_ =	shalt  }
0x41: {  	_ =	shalt  }
0x42: {  	_ =	shalt  }
0x43: {  	_ =	shalt  }
0x44: {  	_ =	shalt  }
0x45: {  	_ =	shalt  }
0x46: {  	_ =	shalt  }
0x47: {  	_ =	shalt  }
0x48: {  	_ =	shalt  }
0x49: {  	_ =	shalt  }
0x4a: {  	_ =	shalt  }
0x4b: {  	_ =	shalt  }
0x4c: {  	_ =	shalt  }
0x4d: {  	_ =	shalt  }
0x4e: {  	_ =	shalt  }
0x4f: {  	_ =	shalt  }
0x50: {  	_ =	shalt  }
0x51: {  	_ =	shalt  }
0x52: {  	_ =	shalt  }
0x53: {  	_ =	shalt  }
0x54: {  	_ =	shalt  }
0x55: {  	_ =	shalt  }
0x56: {  	_ =	shalt  }
0x57: {  	_ =	shalt  }
0x58: {  	_ =	shalt  }
0x59: {  	_ =	shalt  }
0x5a: {  	_ =	shalt  }
0x5b: {  	_ =	shalt  }
0x5c: {  	_ =	shalt  }
0x5d: {  	_ =	shalt  }
0x5e: {  	_ =	shalt  }
0x5f: {  	_ =	shalt  }
0x60: {  	_ =	shalt  }
0x61: {  	_ =	shalt  }
0x62: {  	_ =	shalt  }
0x63: {  	_ =	shalt  }
0x64: {  	_ =	shalt  }
0x65: {  	_ =	shalt  }
0x66: {  	_ =	shalt  }
0x67: {  	_ =	shalt  }
0x68: {  	_ =	shalt  }
0x69: {  	_ =	shalt  }
0x6a: {  	_ =	shalt  }
0x6b: {  	_ =	shalt  }
0x6c: {  	_ =	shalt  }
0x6d: {  	_ =	shalt  }
0x6e: {  	_ =	shalt  }
0x6f: {  	_ =	shalt  }
0x70: {  	_ =	shalt  }
0x71: {  	_ =	shalt  }
0x72: {  	_ =	shalt  }
0x73: {  	_ =	shalt  }
0x74: {  	_ =	shalt  }
0x75: {  	_ =	shalt  }
0x76: {  	_ =	shalt  }
0x77: {  	_ =	shalt  }
0x78: {  	_ =	shalt  }
0x79: {  	_ =	shalt  }
0x7a: {  	_ =	shalt  }
0x7b: {  	_ =	shalt  }
0x7c: {  	_ =	shalt  }
0x7d: {  	_ =	shalt  }
0x7e: {  	_ =	shalt  }
0x7f: {  	_ =	shalt  }
0x80: {  	_ =	shalt  }
0x81: {  	_ =	shalt  }
0x82: {  	_ =	shalt  }
0x83: {  	_ =	shalt  }
0x84: {  	_ =	shalt  }
0x85: {  	_ =	shalt  }
0x86: {  	_ =	shalt  }
0x87: {  	_ =	shalt  }
.Lfunc_end0:
.L_simem_size_0:
called_computation.1_lowered:
.L_overlay_start_0:
0x88: {  	s2 =	sld [smem:$0x3FD9]  }
0x89: {  	s3 =	sld [smem:$0x3FFE];
	_ =	sdelay $0x1  }
0x8a: {  	s1 =	srdreg.scid  }
0x8b: {  	s0 =	sand.u32 $0x1, s1  }
0x8c: {  	s16 =	sshll.u32 s0, $0xA;
	s2 =	sadd.s32 s3, s2  }
0x8d: {  	s2 =	sadd.s32 s2, s16  }
0x8e: {  	[smem:$0x3FBB] =	sst s2  }
0x8f: {  	_ = 	snop  }
0x90: {  	(tm) =	ssettm $0x1  }
0x91: {  	s17 =	sld [smem:$0x3FFB];
	_ =	sdelay $0x3  }
0x92: {  	_ =	strace s17  }
0x93: {  	s2 =	sld [smem:$0x3FFC];
	_ =	sdelay $0x3  }
0x94: {  	_ =	strace s2  }
0x95: {  	s2 =	sld [smem:$0x3FFD];
	_ =	sdelay $0x3  }
0x96: {  	_ =	strace s2  }
0x97: {  	_ =	strace $0x8FFFFFFF  }
0x98: {  	s18 =	sld [smem:$0x3FDB];
	_ =	sdelay $0x1  }
0x99: {  	s19 =	simm.s32 $_scs_section_size  }
0x9a: {  	s4 =	simm.s32 $_size__tile_overlayer_lowered;
	s5 =	simm.s32 $_tile_overlayer_lowered  }
0x9b: {  	s22 =	simm.s32 $0x1BFF;
	s21 =	sshll.u32 s5, $0x1;
	s2 =	sadd.s32 s19, s18  }
0x9c: {  	s6 =	simm.s32 $0x0;
	s20 =	sshll.u32 s4, $0x1;
	s4 =	sadd.s32 s21, s2  }
0x9d: {  	[timem:s6], [sflag:s22] =	dma.local [hbm:s4], s20  }
0x9e: {  	_ =	swait.ge [sflag:s22], s20  }
0x9f: {  	s3 =	ssub.s32 $0x0, s20;
	[sflag:s22] =	ssyncset.done $0x0  }
0xa0: {  	[sflag:s22] =	ssyncadd.s32 s3;
	_ =	sdelay $0x1  }
0xa1: {  	s23 =	simm.s32 $0x1B8B  }
0xa2: {  	_ =	swait.ge [sflag:s23], $0x1  }
0xa3: {  	[sflag:s23] =	ssyncset.done $0x0  }
0xa4: {  	s25 =	simm.s32 $0x1B8E;
	s24 =	sld [smem:$0x3FFE];
	[sflag:s23] =	ssyncadd.s32 $0xFFFFFFFF  }
0xa5: {  	s26 =	simm.s32 $execute0_lowered;
	[smem:$0x3FD2] =	sst s25  }
0xa6: {  	s4 =	sshll.u32 s26, $0x1;
	_ =	strace $0x80000049;
	[dreg:$0x1] =	wrdreg $0xFFFFFFFF  }
0xa7: {  	s28 =	simm.s32 $_size_execute0_lowered;
	s2 =	sadd.s32 s2, s4;
	[dreg:$0x0] =	wrdreg $0x0  }
0xa8: {  	s4 =	sshll.u32 s28, $0x1;
	[dreg:$0x2] =	wrdreg s2  }
0xa9: {  	[dreg:$0x3] =	wrdreg s4  }
0xaa: {  	[dreg:$0x4] =	wrdreg $0xC0  }
0xab: {  	_ =	task [dreg:s6], $0x5FFFF  }
0xac: {  	[dreg:$0x1] =	wrdreg $0xFFFFFFFF  }
0xad: {  	[dreg:$0x0] =	wrdreg $0x60  }
0xae: {  	[dreg:$0x2] =	wrdreg s24  }
0xaf: {  	[dreg:$0x3] =	wrdreg $0x41000  }
0xb0: {  	[dreg:$0x4] =	wrdreg $0x9  }
0xb1: {  	_ =	task.clear_ibuf [dreg:s6], $0x5FFFF;
	_ =	strace $0x90000049  }
0xb2: {  	s29 =	simm.s32 $0x9;
	_ =	strace $0x8000004B  }
0xb3: {  	_ =	swait.ge [sflag:s29], $0x1  }
0xb4: {  	[sflag:s29] =	ssyncadd.s32 $0xFFFFFFFF  }
0xb5: {  	_ =	strace $0x9000004B  }
0xb6: {  	_ =	sfence  }
0xb7: {  	s30 =	sld [smem:$0x0];
	_ =	sdelay $0x2  }
0xb8: {  	s31 =	sshll.u32 s1, $0xD;
	s1 =	sshrl.u32 s1, $0x2  }
0xb9: {  	s3 =	sand.u32 $0x4000, s31;
	s1 =	sadd.s32 s1, s30  }
0xba: {  	s0 =	sor.u32 s3, s0;
	s1 =	sshll.u32 s1, $0x11  }
0xbb: {  	s0 =	sor.u32 s1, s0  }
0xbc: {  	s0 =	sadd.s32 $0x8F2B, s0  }
0xbd: {  	[sflag:s0] =	ssyncadd.remote.s32 $0x1  }
0xbe: {  	_ =	sfence.sel $0xFFFF  }
0xbf: {  	[dreg:$0x0] =	wrdreg $0xFFFFFFFF;
	(pc) =	sbr.abs _section_cstart, $3  }
0xc0: {  	[dreg:$0x1] =	wrdreg $0xFFFFFFFF  }
0xc1: {  	_ =	task.clear_ibuf [dreg:s6], $0x2FFFF;
	_ =	strace $0x9FFFFFFF  }
0xc2: {  	(tm) =	ssettm $0x7FFFFFFF  }
0xc3: {  	_ =	shalt  }
tec
execute0_lowered:
.L_overlay_start_1:
0x0: {  	(tag) =	ssettag $0x1  }
0x1: {  	s6 =	rddreg [dreg:$0x0]  }
0x2: {  	s2 =	rddreg [dreg:$0x1]  }
0x3: {  	s0 =	rddreg [dreg:$0x2];
	s3 =	simm.s32 $0x0;
	s1 =	stileid.u32  }
0x4: {  	s4 =	srdreg.scid;
	s15 =	simm.s32 $0x100;
	s16 =	simm.s32 $0x1  }
0x5: {  	s17 =	simm.s32 $0x0;
	[smem:$0x7FF] =	sst s3;
	s5 =	sshll.u32 s1, $0x4  }
0x6: {  	s7 =	smul.u32 $0x13C00, s1;
	s8 =	sand.u32 $0x1, s4;
	s4 =	sadd.s32 $0x30A00, s6  }
0x7: {  	s12 =	smul.u32 $0x4F000, s1;
	s31 =	sshll.u32 s1, $0x6;
	_ =	strace $0x8000004A  }
0x8: {  	s11 =	sadd.s32 s5, s6;
	s9 =	smul.u32 $0x13C000, s8;
	s5 =	sadd.s32 $0x57C00, s6  }
0x9: {  	s29 =	ssub.s32 $0x2, s8;
	p0 =	seq.s32 s8, $0x1;
	s10 =	sshrl.u32 s7, $0x3  }
0xa: {  	s13 =	sshrl.u32 s29, $0x1;
	s30 =	sshrl.u32 s12, $0x2;
	s7 =	sadd.s32 s7, s9  }
.Ltmp0:
0xb: {  	s10 =	sadd.s32 s10, s6;
	s9 =	ssub.s32 s29, s13;
	(pc) =	sbr.rel .LBB2_1-.Ltmp0, $4  }
0xc: {  	s12 =	sadd.s32 s30, s2;
	s13 =	simm.s32 $0x2;
	s7 =	sshrl.u32 s7, $0x3  }
0xd: {  	s9 =	smax.u32 s9, $0x1;
	s12 =	sshrl.u32 s12, $0x3;
	s14 =	sadd.s32 s7, s6  }
0xe: {  	s6 =	sadd.s32 $0x9200, s10;
	s7 =	sor.u32 $0x1C02, s31;
	s10 =	sadd.s32 $0x84A00, s11  }
0xf: {  	s11 =	sadd.s32 $0x7FA00, s11;
	s8 =	sadd.s32 $0xD7C00, s14;
	s14 =	simm.s32 $0x80  }
.LBB2_7:
0x10: {  	s19 =	sadd.s32 s18, s10;
	[sflag:s13] =	ssyncadd.s32 $0xFFFFC000  }
0x11: {  	[tilespmem:s3], [sflag:$0x2] =	stream.linear.gather [hbm4b:s19+s3], $0x80, $0x38;
	[tilespmem:$0x17D00] =	vst v63  }
0x12: {  	_ =	swait.ge [sflag:s13], $0x80  }
0x13: {  	[sflag:s13] =	ssyncset.done $0x0  }
0x14: {  	s31 =	sadd.s32 s18, s11;
	[sflag:s13] =	ssyncadd.s32 $0xFFFFFF80  }
0x15: {  	[tilespmem:s14], [sflag:$0x2] =	stream.linear.gather [hbm4b:s31+s3], $0x80, $0x38;
	[tilespmem:$0x17D00] =	vst v63  }
0x16: {  	_ =	swait.ge [sflag:s13], $0x80  }
0x17: {  	[sflag:s13] =	ssyncset.done $0x0  }
0x18: {  	[sflag:s13] =	ssyncadd.s32 $0xFFFFFF80  }
0x19: {  	[tilespmem:s15], [sflag:$0x1] =	stream.indirect.gather [hbm4b:s5+s14], $0x80, s3, s14, $0xb8;
	[tilespmem:$0x17D00] =	vst v63  }
0x1a: {  	_ =	swait.ge [sflag:s16], $0x4000  }
0x1b: {  	[sflag:s16] =	ssyncset.done $0x0  }
0x1c: {  	[sflag:s16] =	ssyncadd.s32 $0xFFFFC000  }
0x1d: {  	[spmem:s2] =	stream.indirect.scatter.add.f32 [tilespmem:s15], [sflag:$0x2], $0x80, s14, s14, $0xb8;
	[tilespmem:$0x17D00] =	vst v63  }
0x1e: {  	_ =	swait.ge [sflag:s13], $0x4000  }
0x1f: {  	[sflag:s13] =	ssyncset.done $0x0  }
0x20: {  	[sflag:s13] =	ssyncadd.s32 $0xFFFFC000  }
.LBB2_8:
0x21: {  	s17 =	sadd.s32 $0x1, s17  }
0x22: {  	p1 =	sne.s32 s17, s9  }
.Ltmp1:
0x23: {  	[bflag:$0x0] =	sbarrier.arrive $0xFFFF;
	(pc) =	sbr.rel @!p1 .LBB2_9-.Ltmp1, $4  }
0x24: {  	[hbm:s8], [sflag:s7] =	dma.local [spmem:s12], $0x2780  }
0x25: {  	_ =	swait.ge [sflag:s13], $0x2780  }
0x26: {  	[sflag:s13] =	ssyncset.done $0x0  }
0x27: {  	[sflag:s13] =	ssyncadd.s32 $0xFFFFD880  }
.LBB2_1:
0x28: {  	[spmem:s12], [sflag:s7] =	dma.local [hbm:s6], $0x2780  }
.Ltmp2:
0x29: {  	_ =	swait.ge [sflag:s13], $0x2780;
	(pc) =	sbr.rel @!p0 .LBB2_2-.Ltmp2, $4  }
0x2a: {  	[sflag:s13] =	ssyncset.done $0x0  }
0x2b: {  	[sflag:s13] =	ssyncadd.s32 $0xFFFFD880  }
0x2c: {  	[bflag:$0x0] =	sbarrier.arrive $0xFFFF  }
0x2d: {  	s18 =	sadd.s32 $0x0, s10  }
0x2e: {  	[tilespmem:s3], [sflag:$0x2] =	stream.linear.gather [hbm4b:s18+s3], $0x80, $0x38;
	[tilespmem:$0x17D00] =	vst v63  }
0x2f: {  	_ =	swait.ge [sflag:s13], $0x80  }
0x30: {  	[sflag:s13] =	ssyncset.done $0x0  }
0x31: {  	s31 =	sadd.s32 $0x0, s11;
	[sflag:s13] =	ssyncadd.s32 $0xFFFFFF80  }
0x32: {  	[tilespmem:s14], [sflag:$0x2] =	stream.linear.gather [hbm4b:s31+s3], $0x80, $0x38;
	[tilespmem:$0x17D00] =	vst v63  }
0x33: {  	_ =	swait.ge [sflag:s13], $0x80  }
0x34: {  	[sflag:s13] =	ssyncset.done $0x0  }
0x35: {  	[sflag:s13] =	ssyncadd.s32 $0xFFFFFF80  }
0x36: {  	[tilespmem:s15], [sflag:$0x1] =	stream.indirect.gather [hbm4b:s5+s14], $0x80, s3, s14, $0xb8;
	[tilespmem:$0x17D00] =	vst v63  }
0x37: {  	_ =	swait.ge [sflag:s16], $0x4000  }
0x38: {  	[sflag:s16] =	ssyncset.done $0x0  }
0x39: {  	[sflag:s16] =	ssyncadd.s32 $0xFFFFC000  }
0x3a: {  	[spmem:s2] =	stream.indirect.scatter.add.f32 [tilespmem:s15], [sflag:$0x2], $0x80, s14, s14, $0xb8;
	[tilespmem:$0x17D00] =	vst v63  }
0x3b: {  	_ =	swait.ge [sflag:s13], $0x4000  }
0x3c: {  	s18 =	simm.s32 $0x100;
	s19 =	simm.s32 $0x200;
	[sflag:s13] =	ssyncset.done $0x0  }
.LBB2_6:
0x3d: {  	s20 =	sadd.s32 s18, s10  }
0x3e: {  	[sflag:s13] =	ssyncadd.s32 $0xFFFFC000;
	s21 =	smov.u32 s19;
	s22 =	sadd.s32 $0x100, s19  }
0x3f: {  	[tilespmem:s3], [sflag:$0x2] =	stream.linear.gather [hbm4b:s20+s3], $0x80, $0x38;
	[tilespmem:$0x17D00] =	vst v63  }
0x40: {  	p1 =	sne.s32 s19, $0x4F00;
	_ =	swait.ge [sflag:s13], $0x80  }
0x41: {  	[sflag:s13] =	ssyncset.done $0x0  }
0x42: {  	s19 =	sadd.s32 s18, s11;
	s18 =	smov.u32 s21;
	[sflag:s13] =	ssyncadd.s32 $0xFFFFFF80  }
0x43: {  	[tilespmem:s14], [sflag:$0x2] =	stream.linear.gather [hbm4b:s19+s3], $0x80, $0x38;
	[tilespmem:$0x17D00] =	vst v63  }
0x44: {  	_ =	swait.ge [sflag:s13], $0x80  }
0x45: {  	[sflag:s13] =	ssyncset.done $0x0  }
0x46: {  	[sflag:s13] =	ssyncadd.s32 $0xFFFFFF80  }
0x47: {  	[tilespmem:s15], [sflag:$0x1] =	stream.indirect.gather [hbm4b:s5+s14], $0x80, s3, s14, $0xb8;
	[tilespmem:$0x17D00] =	vst v63  }
0x48: {  	_ =	swait.ge [sflag:s16], $0x4000  }
.Ltmp3:
0x49: {  	[sflag:s16] =	ssyncset.done $0x0;
	(pc) =	sbr.rel @p1 .LBB2_6-.Ltmp3, $4  }
0x4a: {  	[sflag:s16] =	ssyncadd.s32 $0xFFFFC000  }
0x4b: {  	[spmem:s2] =	stream.indirect.scatter.add.f32 [tilespmem:s15], [sflag:$0x2], $0x80, s14, s14, $0xb8;
	[tilespmem:$0x17D00] =	vst v63  }
0x4c: {  	_ =	swait.ge [sflag:s13], $0x4000  }
0x4d: {  	s19 =	smov.u32 s22;
	[sflag:s13] =	ssyncset.done $0x0  }
.Ltmp4:
0x4e: {  	_ = 	snop;
	(pc) =	sbr.rel .LBB2_7-.Ltmp4, $1  }
0x4f: {  	_ =	sdelay $0x3  }
.LBB2_2:
0x50: {  	[tilespmem:s3], [sflag:$0x2] =	stream.linear.gather [hbm4b:s18+s3], $0x80, $0x38;
	[tilespmem:$0x17D00] =	vst v63  }
0x51: {  	_ =	swait.ge [sflag:s13], $0x80  }
0x52: {  	[sflag:s13] =	ssyncset.done $0x0  }
0x53: {  	s31 =	sadd.s32 $0x0, s11;
	[sflag:s13] =	ssyncadd.s32 $0xFFFFFF80  }
0x54: {  	[tilespmem:s14], [sflag:$0x2] =	stream.linear.gather [hbm4b:s31+s3], $0x80, $0x38;
	[tilespmem:$0x17D00] =	vst v63  }
0x55: {  	_ =	swait.ge [sflag:s13], $0x80  }
0x56: {  	[sflag:s13] =	ssyncset.done $0x0  }
0x57: {  	[sflag:s13] =	ssyncadd.s32 $0xFFFFFF80  }
0x58: {  	[tilespmem:s15], [sflag:$0x1] =	stream.indirect.gather [hbm4b:s4+s14], $0x80, s3, s14, $0xb8;
	[tilespmem:$0x17D00] =	vst v63  }
0x59: {  	_ =	swait.ge [sflag:s16], $0x4000  }
0x5a: {  	[sflag:s16] =	ssyncset.done $0x0  }
0x5b: {  	[sflag:s16] =	ssyncadd.s32 $0xFFFFC000  }
0x5c: {  	[spmem:s2] =	stream.indirect.scatter.add.f32 [tilespmem:s15], [sflag:$0x2], $0x80, s14, s14, $0xb8;
	[tilespmem:$0x17D00] =	vst v63  }
0x5d: {  	_ =	swait.ge [sflag:s13], $0x4000  }
0x5e: {  	s18 =	simm.s32 $0x100;
	s19 =	simm.s32 $0x200;
	[sflag:s13] =	ssyncset.done $0x0  }
.LBB2_3:
0x5f: {  	s20 =	sadd.s32 s18, s10  }
0x60: {  	[sflag:s13] =	ssyncadd.s32 $0xFFFFC000;
	s21 =	smov.u32 s19;
	s22 =	sadd.s32 $0x100, s19  }
0x61: {  	[tilespmem:s3], [sflag:$0x2] =	stream.linear.gather [hbm4b:s20+s3], $0x80, $0x38;
	[tilespmem:$0x17D00] =	vst v63  }
0x62: {  	p1 =	seq.s32 s19, $0x4F00;
	_ =	swait.ge [sflag:s13], $0x80  }
0x63: {  	[sflag:s13] =	ssyncset.done $0x0  }
0x64: {  	s19 =	sadd.s32 s18, s11;
	s18 =	smov.u32 s21;
	[sflag:s13] =	ssyncadd.s32 $0xFFFFFF80  }
0x65: {  	[tilespmem:s14], [sflag:$0x2] =	stream.linear.gather [hbm4b:s19+s3], $0x80, $0x38;
	[tilespmem:$0x17D00] =	vst v63  }
0x66: {  	_ =	swait.ge [sflag:s13], $0x80  }
0x67: {  	[sflag:s13] =	ssyncset.done $0x0  }
0x68: {  	[sflag:s13] =	ssyncadd.s32 $0xFFFFFF80  }
0x69: {  	[tilespmem:s15], [sflag:$0x1] =	stream.indirect.gather [hbm4b:s4+s14], $0x80, s3, s14, $0xb8;
	[tilespmem:$0x17D00] =	vst v63  }
0x6a: {  	_ =	swait.ge [sflag:s16], $0x4000  }
.Ltmp5:
0x6b: {  	[sflag:s16] =	ssyncset.done $0x0;
	(pc) =	sbr.rel @!p1 .LBB2_3-.Ltmp5, $4  }
0x6c: {  	[sflag:s16] =	ssyncadd.s32 $0xFFFFC000  }
0x6d: {  	[spmem:s2] =	stream.indirect.scatter.add.f32 [tilespmem:s15], [sflag:$0x2], $0x80, s14, s14, $0xb8;
	[tilespmem:$0x17D00] =	vst v63  }
0x6e: {  	_ =	swait.ge [sflag:s13], $0x4000  }
0x6f: {  	s19 =	smov.u32 s22;
	[sflag:s13] =	ssyncset.done $0x0  }
0x70: {  	s19 =	sadd.s32 s18, s10;
	[sflag:s13] =	ssyncadd.s32 $0xFFFFC000  }
0x71: {  	[tilespmem:s3], [sflag:$0x2] =	stream.linear.gather [hbm4b:s19+s3], $0x80, $0x38;
	[tilespmem:$0x17D00] =	vst v63  }
0x72: {  	_ =	swait.ge [sflag:s13], $0x80  }
0x73: {  	[sflag:s13] =	ssyncset.done $0x0  }
0x74: {  	s31 =	sadd.s32 s18, s11;
	[sflag:s13] =	ssyncadd.s32 $0xFFFFFF80  }
0x75: {  	[tilespmem:s14], [sflag:$0x2] =	stream.linear.gather [hbm4b:s31+s3], $0x80, $0x38;
	[tilespmem:$0x17D00] =	vst v63  }
0x76: {  	_ =	swait.ge [sflag:s13], $0x80  }
0x77: {  	[sflag:s13] =	ssyncset.done $0x0  }
0x78: {  	[sflag:s13] =	ssyncadd.s32 $0xFFFFFF80  }
0x79: {  	[tilespmem:s15], [sflag:$0x1] =	stream.indirect.gather [hbm4b:s4+s14], $0x80, s3, s14, $0xb8;
	[tilespmem:$0x17D00] =	vst v63  }
0x7a: {  	_ =	swait.ge [sflag:s16], $0x4000  }
0x7b: {  	[sflag:s16] =	ssyncset.done $0x0  }
.Ltmp6:
0x7c: {  	[sflag:s16] =	ssyncadd.s32 $0xFFFFC000;
	(pc) =	sbr.rel .LBB2_8-.Ltmp6, $4  }
0x7d: {  	[spmem:s2] =	stream.indirect.scatter.add.f32 [tilespmem:s15], [sflag:$0x2], $0x80, s14, s14, $0xb8;
	[tilespmem:$0x17D00] =	vst v63  }
0x7e: {  	_ =	swait.ge [sflag:s13], $0x4000  }
0x7f: {  	[sflag:s13] =	ssyncset.done $0x0  }
0x80: {  	[sflag:s13] =	ssyncadd.s32 $0xFFFFC000  }
.LBB2_9:
0x81: {  	_ =	sfence.sel $0x180000  }
0x82: {  	[bflag:$0x0] =	sbarrier.arrive $0xFFFF  }
0x83: {  	p0 =	sne.s32 s1, $0x0;
	_ =	strace $0x9000004A  }
0x84: {  	s0 =	sadd.s32 @!p0 $0x100000, s0;
	[bflag:$0x2] =	sbarrier.arrive $0xFFFF  }
0x85: {  	[sflag:s0] =	ssyncadd.tile.s32 @!p0 $0x1;
	_ =	shalt  }
.Lfunc_end2:
_tile_overlayer_lowered:
.L_overlay_start_2:
0x86: {  	(tag) =	ssettag $0x2  }
0x87: {  	s0 =	rddreg [dreg:$0x0];
	s2 =	stileid.u32  }
0x88: {  	s1 =	rddreg [dreg:$0x1];
	p0 =	sne.s32 s2, $0x0  }
0x89: {  	s3 =	rddreg [dreg:$0x2];
	[bflag:$0x3] =	sbarrier.arrive $0xFFFF;
	s2 =	simm.s32 @!p0 $0x1C02  }
0x8a: {  	[timem:s3], [sflag:s2] =	dma.local @!p0 [hbm:s0], s1  }
0x8b: {  	s0 =	simm.s32 @!p0 $0x2  }
0x8c: {  	_ =	swait.ge @!p0 [sflag:s0], s1  }
0x8d: {  	s1 =	ssub.s32 @!p0 $0x0, s1;
	[sflag:s0] =	ssyncset.done @!p0 $0x0  }
0x8e: {  	[sflag:s0] =	ssyncadd.s32 @!p0 s1  }
0x8f: {  	[bflag:$0x3] =	sbarrier.arrive $0xFFFF  }
0x90: {  	_ =	shalt  }

// kernel: kernel.17.cloned.1.call-start
scs
__scs_entry_jumppad:
0x0: {  	(pc) =	sbr.rel $0x88, $3  }
0x1: {  	(tag) =	ssettag $0x0;
	lr =	simm.s32 $0x1  }
0x2: {  	[smem:$0x3F94] =	sst lr;
	_ =	strace $0xD0000000  }
0x3: {  	_ = 	snop  }
0x4: {  	_ = 	snop  }
0x5: {  	_ = 	snop  }
0x6: {  	_ = 	snop  }
0x7: {  	_ = 	snop  }
__scs_overlays_trampoline_lowered:
0x8: {  	[smem:$0x3FA3] =	sst s0  }
0x9: {  	[smem:$0x3FA4] =	sst s1  }
0xa: {  	[smem:$0x3FA5] =	sst s2  }
0xb: {  	[smem:$0x3FA6] =	sst s3  }
0xc: {  	[smem:$0x3FA7] =	sst s4  }
0xd: {  	[smem:$0x3FA8] =	sst s5  }
0xe: {  	[smem:$0x3FA9] =	sst s6  }
0xf: {  	[smem:$0x3FAA] =	sst s7  }
0x10: {  	[smem:$0x3FAB] =	sst s8  }
0x11: {  	[smem:$0x3FAC] =	sst s9;
	s0 =	simm.s32 @!p0 $0x0  }
0x12: {  	s1 =	sld [smem:$0x3F92];
	s0 =	simm.s32 @p0 $0x1  }
0x13: {  	[smem:$0x3FAD] =	sst s0;
	s0 =	simm.s32 @!p1 $0x0  }
0x14: {  	s2 =	sld [smem:$0x3F91];
	s0 =	simm.s32 @p1 $0x1  }
0x15: {  	[smem:$0x3FAE] =	sst s0;
	s0 =	simm.s32 @!p2 $0x0  }
0x16: {  	s3 =	sld [smem:$0x3FDB];
	s0 =	simm.s32 @p2 $0x1  }
0x17: {  	s4 =	simm.s32 $0x1BF5;
	[smem:$0x3FB0] =	sst s0  }
0x18: {  	s0 =	sld [smem:$0x3F93];
	_ =	swait.ge [sflag:s4], $0x0  }
0x19: {  	s7 =	sld [smem:$0x3F94]  }
0x1a: {  	s8 =	sadd.s32 $0xFFFFE003, lr  }
0x1b: {  	s9 =	sadd.s32 $0xFFFFFEF7, lr;
	s5 =	simm.s32 $0xFFFFFFFF;
	p2 =	slt.u32 s8, $0xFFFFF086  }
0x1c: {  	p1 =	slt.u32 s9, $0xF7A;
	s5 =	simm.s32 @!p2 $0x0  }
0x1d: {  	s5 =	simm.s32 @p1 $0x1;
	p0 =	seq.s32 s7, s2  }
0x1e: {  	s7 =	smul.u32 @!p0 $0xF7A, s2;
	p2 =	seq.s32 @!p0 s5, $0x0  }
0x1f: {  	s9 =	smul.u32 $0xF7A, s1;
	s8 =	simm.s32 @!p0 $0x1BF5;
	p2 =	por !p2, p0  }
0x20: {  	[sflag:s8] =	ssyncset.s32 @!p0 $0xFFFFF086;
	s6 =	sadd.s32 @!p0 s3, s7;
	s7 =	simm.s32 @!p0 $0x108  }
0x21: {  	s3 =	sadd.s32 s3, s9;
	s6 =	sadd.s32 @!p0 $0x88, s6;
	s7 =	simm.s32 @p2 $0x1082  }
0x22: {  	[simem:s7], [sflag:s8] =	dma.local @!p0 [hbm:s6], $0xF7A  }
0x23: {  	s9 =	sor.u32 $0xD0000000, s2;
	s6 =	simm.s32 $0x108;
	_ =	swait.ge @!p0 [sflag:s8], $0x0  }
0x24: {  	s3 =	sadd.s32 $0x88, s3;
	s6 =	simm.s32 @!p1 $0x1082;
	[sflag:s4] =	ssyncset.s32 $0xFFFFF086  }
0x25: {  	[simem:s6], [sflag:s4] =	dma.local [hbm:s3], $0xF7A  }
0x26: {  	[smem:$0x3F94] =	sst s1;
	(tag) =	ssettag s2;
	_ =	strace s9  }
0x27: {  	s1 =	sld [smem:$0x3FA4]  }
0x28: {  	s2 =	sld [smem:$0x3FA5]  }
0x29: {  	s4 =	sld [smem:$0x3FA7]  }
0x2a: {  	p0 =	seq.s32 s5, $0x0;
	s5 =	sld [smem:$0x3FA8]  }
0x2b: {  	s6 =	sld [smem:$0x3FA9]  }
0x2c: {  	s7 =	sld [smem:$0x3FAA]  }
0x2d: {  	s3 =	simm.s32 $0x108;
	s8 =	sld [smem:$0x3FAB]  }
0x2e: {  	s3 =	simm.s32 @!p0 $0x1082;
	s9 =	sld [smem:$0x3FAC]  }
0x2f: {  	lr =	sadd.s32 s0, s3;
	s0 =	sld [smem:$0x3FA3]  }
0x30: {  	s3 =	sld [smem:$0x3FA6]  }
0x31: {  	[smem:$0x3FAF] =	sst s10  }
0x32: {  	s10 =	sld [smem:$0x3FAD];
	_ =	sdelay $0x3  }
0x33: {  	p0 =	seq.s32 s10, $0x1;
	s10 =	sld [smem:$0x3FAF];
	_ =	sdelay $0x3  }
0x34: {  	[smem:$0x3FAF] =	sst s10  }
0x35: {  	s10 =	sld [smem:$0x3FAE];
	_ =	sdelay $0x3  }
0x36: {  	p1 =	seq.s32 s10, $0x1;
	s10 =	sld [smem:$0x3FAF];
	_ =	sdelay $0x3  }
0x37: {  	[smem:$0x3FAF] =	sst s10  }
0x38: {  	s10 =	sld [smem:$0x3FB0]  }
0x39: {  	_ = 	snop;
	(pc) =	sbr.ind lr, $3  }
0x3a: {  	_ = 	snop  }
0x3b: {  	_ = 	snop  }
0x3c: {  	p2 =	seq.s32 s10, $0x1;
	s10 =	sld [smem:$0x3FAF]  }
0x3d: {  	_ =	shalt  }
0x3e: {  	_ =	shalt  }
0x3f: {  	_ =	shalt  }
0x40: {  	_ =	shalt  }
0x41: {  	_ =	shalt  }
0x42: {  	_ =	shalt  }
0x43: {  	_ =	shalt  }
0x44: {  	_ =	shalt  }
0x45: {  	_ =	shalt  }
0x46: {  	_ =	shalt  }
0x47: {  	_ =	shalt  }
0x48: {  	_ =	shalt  }
0x49: {  	_ =	shalt  }
0x4a: {  	_ =	shalt  }
0x4b: {  	_ =	shalt  }
0x4c: {  	_ =	shalt  }
0x4d: {  	_ =	shalt  }
0x4e: {  	_ =	shalt  }
0x4f: {  	_ =	shalt  }
0x50: {  	_ =	shalt  }
0x51: {  	_ =	shalt  }
0x52: {  	_ =	shalt  }
0x53: {  	_ =	shalt  }
0x54: {  	_ =	shalt  }
0x55: {  	_ =	shalt  }
0x56: {  	_ =	shalt  }
0x57: {  	_ =	shalt  }
0x58: {  	_ =	shalt  }
0x59: {  	_ =	shalt  }
0x5a: {  	_ =	shalt  }
0x5b: {  	_ =	shalt  }
0x5c: {  	_ =	shalt  }
0x5d: {  	_ =	shalt  }
0x5e: {  	_ =	shalt  }
0x5f: {  	_ =	shalt  }
0x60: {  	_ =	shalt  }
0x61: {  	_ =	shalt  }
0x62: {  	_ =	shalt  }
0x63: {  	_ =	shalt  }
0x64: {  	_ =	shalt  }
0x65: {  	_ =	shalt  }
0x66: {  	_ =	shalt  }
0x67: {  	_ =	shalt  }
0x68: {  	_ =	shalt  }
0x69: {  	_ =	shalt  }
0x6a: {  	_ =	shalt  }
0x6b: {  	_ =	shalt  }
0x6c: {  	_ =	shalt  }
0x6d: {  	_ =	shalt  }
0x6e: {  	_ =	shalt  }
0x6f: {  	_ =	shalt  }
0x70: {  	_ =	shalt  }
0x71: {  	_ =	shalt  }
0x72: {  	_ =	shalt  }
0x73: {  	_ =	shalt  }
0x74: {  	_ =	shalt  }
0x75: {  	_ =	shalt  }
0x76: {  	_ =	shalt  }
0x77: {  	_ =	shalt  }
0x78: {  	_ =	shalt  }
0x79: {  	_ =	shalt  }
0x7a: {  	_ =	shalt  }
0x7b: {  	_ =	shalt  }
0x7c: {  	_ =	shalt  }
0x7d: {  	_ =	shalt  }
0x7e: {  	_ =	shalt  }
0x7f: {  	_ =	shalt  }
0x80: {  	_ =	shalt  }
0x81: {  	_ =	shalt  }
0x82: {  	_ =	shalt  }
0x83: {  	_ =	shalt  }
0x84: {  	_ =	shalt  }
0x85: {  	_ =	shalt  }
0x86: {  	_ =	shalt  }
0x87: {  	_ =	shalt  }
.Lfunc_end0:
.L_simem_size_0:
called_computation.2_lowered:
.L_overlay_start_0:
0x88: {  	s2 =	sld [smem:$0x3FD9]  }
0x89: {  	s3 =	sld [smem:$0x3FFE];
	_ =	sdelay $0x1  }
0x8a: {  	s1 =	srdreg.scid  }
0x8b: {  	s0 =	sand.u32 $0x1, s1  }
0x8c: {  	s16 =	sshll.u32 s0, $0xA;
	s2 =	sadd.s32 s3, s2  }
0x8d: {  	s2 =	sadd.s32 s2, s16  }
0x8e: {  	[smem:$0x3FBB] =	sst s2  }
0x8f: {  	_ = 	snop  }
0x90: {  	(tm) =	ssettm $0x1  }
0x91: {  	s17 =	sld [smem:$0x3FFB];
	_ =	sdelay $0x3  }
0x92: {  	_ =	strace s17  }
0x93: {  	s2 =	sld [smem:$0x3FFC];
	_ =	sdelay $0x3  }
0x94: {  	_ =	strace s2  }
0x95: {  	s2 =	sld [smem:$0x3FFD];
	_ =	sdelay $0x3  }
0x96: {  	_ =	strace s2  }
0x97: {  	_ =	strace $0x8FFFFFFF  }
0x98: {  	s18 =	sld [smem:$0x3FDB];
	_ =	sdelay $0x1  }
0x99: {  	s19 =	simm.s32 $_scs_section_size  }
0x9a: {  	s4 =	simm.s32 $_size__tile_overlayer_lowered;
	s5 =	simm.s32 $_tile_overlayer_lowered  }
0x9b: {  	s22 =	simm.s32 $0x1BFF;
	s21 =	sshll.u32 s5, $0x1;
	s2 =	sadd.s32 s19, s18  }
0x9c: {  	s6 =	simm.s32 $0x0;
	s20 =	sshll.u32 s4, $0x1;
	s4 =	sadd.s32 s21, s2  }
0x9d: {  	[timem:s6], [sflag:s22] =	dma.local [hbm:s4], s20  }
0x9e: {  	_ =	swait.ge [sflag:s22], s20  }
0x9f: {  	s3 =	ssub.s32 $0x0, s20;
	[sflag:s22] =	ssyncset.done $0x0  }
0xa0: {  	[sflag:s22] =	ssyncadd.s32 s3;
	_ =	sdelay $0x1  }
0xa1: {  	s23 =	simm.s32 $0x1B8B  }
0xa2: {  	_ =	swait.ge [sflag:s23], $0x1  }
0xa3: {  	[sflag:s23] =	ssyncset.done $0x0  }
0xa4: {  	s25 =	simm.s32 $0x1B8E;
	s24 =	sld [smem:$0x3FFE];
	[sflag:s23] =	ssyncadd.s32 $0xFFFFFFFF  }
0xa5: {  	s26 =	simm.s32 $execute0_lowered;
	[smem:$0x3FD2] =	sst s25  }
0xa6: {  	s4 =	sshll.u32 s26, $0x1;
	_ =	strace $0x8000004C;
	[dreg:$0x1] =	wrdreg $0xFFFFFFFF  }
0xa7: {  	s28 =	simm.s32 $_size_execute0_lowered;
	s2 =	sadd.s32 s2, s4;
	[dreg:$0x0] =	wrdreg $0x0  }
0xa8: {  	s4 =	sshll.u32 s28, $0x1;
	[dreg:$0x2] =	wrdreg s2  }
0xa9: {  	[dreg:$0x3] =	wrdreg s4  }
0xaa: {  	[dreg:$0x4] =	wrdreg $0xC0  }
0xab: {  	_ =	task [dreg:s6], $0x5FFFF  }
0xac: {  	[dreg:$0x1] =	wrdreg $0xFFFFFFFF  }
0xad: {  	[dreg:$0x0] =	wrdreg $0x60  }
0xae: {  	[dreg:$0x2] =	wrdreg s24  }
0xaf: {  	[dreg:$0x3] =	wrdreg $0x41000  }
0xb0: {  	[dreg:$0x4] =	wrdreg $0x9  }
0xb1: {  	_ =	task.clear_ibuf [dreg:s6], $0x5FFFF;
	_ =	strace $0x9000004C  }
0xb2: {  	s29 =	simm.s32 $0x9;
	_ =	strace $0x8000004E  }
0xb3: {  	_ =	swait.ge [sflag:s29], $0x1  }
0xb4: {  	[sflag:s29] =	ssyncadd.s32 $0xFFFFFFFF  }
0xb5: {  	_ =	strace $0x9000004E  }
0xb6: {  	_ =	sfence  }
0xb7: {  	s30 =	sld [smem:$0x0];
	_ =	sdelay $0x2  }
0xb8: {  	s31 =	sshll.u32 s1, $0xD;
	s1 =	sshrl.u32 s1, $0x2  }
0xb9: {  	s3 =	sand.u32 $0x4000, s31;
	s1 =	sadd.s32 s1, s30  }
0xba: {  	s0 =	sor.u32 s3, s0;
	s1 =	sshll.u32 s1, $0x11  }
0xbb: {  	s0 =	sor.u32 s1, s0  }
0xbc: {  	s0 =	sadd.s32 $0x8F2B, s0  }
0xbd: {  	[sflag:s0] =	ssyncadd.remote.s32 $0x1  }
0xbe: {  	_ =	sfence.sel $0xFFFF  }
0xbf: {  	[dreg:$0x0] =	wrdreg $0xFFFFFFFF;
	(pc) =	sbr.abs _section_cstart, $3  }
0xc0: {  	[dreg:$0x1] =	wrdreg $0xFFFFFFFF  }
0xc1: {  	_ =	task.clear_ibuf [dreg:s6], $0x2FFFF;
	_ =	strace $0x9FFFFFFF  }
0xc2: {  	(tm) =	ssettm $0x7FFFFFFF  }
0xc3: {  	_ =	shalt  }
tec
execute0_lowered:
.L_overlay_start_1:
0x0: {  	(tag) =	ssettag $0x1  }
0x1: {  	s6 =	rddreg [dreg:$0x0]  }
0x2: {  	s2 =	rddreg [dreg:$0x1]  }
0x3: {  	s0 =	rddreg [dreg:$0x2];
	s3 =	simm.s32 $0x0;
	s1 =	stileid.u32  }
0x4: {  	s4 =	srdreg.scid;
	s15 =	simm.s32 $0x100;
	s16 =	simm.s32 $0x1  }
0x5: {  	s17 =	simm.s32 $0x0;
	[smem:$0x7FF] =	sst s3;
	s5 =	sshll.u32 s1, $0x4  }
0x6: {  	s7 =	smul.u32 $0x13C00, s1;
	s8 =	sand.u32 $0x1, s4;
	s4 =	sadd.s32 $0x89A00, s6  }
0x7: {  	s12 =	smul.u32 $0x4F000, s1;
	s31 =	sshll.u32 s1, $0x6;
	_ =	strace $0x8000004D  }
0x8: {  	s11 =	sadd.s32 s5, s6;
	s9 =	smul.u32 $0x13C000, s8;
	s5 =	sadd.s32 $0xB0C00, s6  }
0x9: {  	s29 =	ssub.s32 $0x2, s8;
	p0 =	seq.s32 s8, $0x1;
	s10 =	sshrl.u32 s7, $0x3  }
0xa: {  	s13 =	sshrl.u32 s29, $0x1;
	s30 =	sshrl.u32 s12, $0x2;
	s7 =	sadd.s32 s7, s9  }
.Ltmp0:
0xb: {  	s10 =	sadd.s32 s10, s6;
	s9 =	ssub.s32 s29, s13;
	(pc) =	sbr.rel .LBB2_1-.Ltmp0, $4  }
0xc: {  	s12 =	sadd.s32 s30, s2;
	s13 =	simm.s32 $0x2;
	s7 =	sshrl.u32 s7, $0x3  }
0xd: {  	s9 =	smax.u32 s9, $0x1;
	s12 =	sshrl.u32 s12, $0x3;
	s14 =	sadd.s32 s7, s6  }
0xe: {  	s6 =	sadd.s32 $0x9200, s10;
	s7 =	sor.u32 $0x1C02, s31;
	s10 =	sadd.s32 $0x84A00, s11  }
0xf: {  	s11 =	sadd.s32 $0x7FA00, s11;
	s8 =	sadd.s32 $0xD7E00, s14;
	s14 =	simm.s32 $0x80  }
.LBB2_7:
0x10: {  	s19 =	sadd.s32 s18, s10;
	[sflag:s13] =	ssyncadd.s32 $0xFFFFC000  }
0x11: {  	[tilespmem:s3], [sflag:$0x2] =	stream.linear.gather [hbm4b:s19+s3], $0x80, $0x38;
	[tilespmem:$0x17D00] =	vst v63  }
0x12: {  	_ =	swait.ge [sflag:s13], $0x80  }
0x13: {  	[sflag:s13] =	ssyncset.done $0x0  }
0x14: {  	s31 =	sadd.s32 s18, s11;
	[sflag:s13] =	ssyncadd.s32 $0xFFFFFF80  }
0x15: {  	[tilespmem:s14], [sflag:$0x2] =	stream.linear.gather [hbm4b:s31+s3], $0x80, $0x38;
	[tilespmem:$0x17D00] =	vst v63  }
0x16: {  	_ =	swait.ge [sflag:s13], $0x80  }
0x17: {  	[sflag:s13] =	ssyncset.done $0x0  }
0x18: {  	[sflag:s13] =	ssyncadd.s32 $0xFFFFFF80  }
0x19: {  	[tilespmem:s15], [sflag:$0x1] =	stream.indirect.gather [hbm4b:s5+s14], $0x80, s3, s14, $0xb8;
	[tilespmem:$0x17D00] =	vst v63  }
0x1a: {  	_ =	swait.ge [sflag:s16], $0x4000  }
0x1b: {  	[sflag:s16] =	ssyncset.done $0x0  }
0x1c: {  	[sflag:s16] =	ssyncadd.s32 $0xFFFFC000  }
0x1d: {  	[spmem:s2] =	stream.indirect.scatter.add.f32 [tilespmem:s15], [sflag:$0x2], $0x80, s14, s14, $0xb8;
	[tilespmem:$0x17D00] =	vst v63  }
0x1e: {  	_ =	swait.ge [sflag:s13], $0x4000  }
0x1f: {  	[sflag:s13] =	ssyncset.done $0x0  }
0x20: {  	[sflag:s13] =	ssyncadd.s32 $0xFFFFC000  }
.LBB2_8:
0x21: {  	s17 =	sadd.s32 $0x1, s17  }
0x22: {  	p1 =	sne.s32 s17, s9  }
.Ltmp1:
0x23: {  	[bflag:$0x0] =	sbarrier.arrive $0xFFFF;
	(pc) =	sbr.rel @!p1 .LBB2_9-.Ltmp1, $4  }
0x24: {  	[hbm:s8], [sflag:s7] =	dma.local [spmem:s12], $0x2780  }
0x25: {  	_ =	swait.ge [sflag:s13], $0x2780  }
0x26: {  	[sflag:s13] =	ssyncset.done $0x0  }
0x27: {  	[sflag:s13] =	ssyncadd.s32 $0xFFFFD880  }
.LBB2_1:
0x28: {  	[spmem:s12], [sflag:s7] =	dma.local [hbm:s6], $0x2780  }
.Ltmp2:
0x29: {  	_ =	swait.ge [sflag:s13], $0x2780;
	(pc) =	sbr.rel @!p0 .LBB2_2-.Ltmp2, $4  }
0x2a: {  	[sflag:s13] =	ssyncset.done $0x0  }
0x2b: {  	[sflag:s13] =	ssyncadd.s32 $0xFFFFD880  }
0x2c: {  	[bflag:$0x0] =	sbarrier.arrive $0xFFFF  }
0x2d: {  	s18 =	sadd.s32 $0x0, s10  }
0x2e: {  	[tilespmem:s3], [sflag:$0x2] =	stream.linear.gather [hbm4b:s18+s3], $0x80, $0x38;
	[tilespmem:$0x17D00] =	vst v63  }
0x2f: {  	_ =	swait.ge [sflag:s13], $0x80  }
0x30: {  	[sflag:s13] =	ssyncset.done $0x0  }
0x31: {  	s31 =	sadd.s32 $0x0, s11;
	[sflag:s13] =	ssyncadd.s32 $0xFFFFFF80  }
0x32: {  	[tilespmem:s14], [sflag:$0x2] =	stream.linear.gather [hbm4b:s31+s3], $0x80, $0x38;
	[tilespmem:$0x17D00] =	vst v63  }
0x33: {  	_ =	swait.ge [sflag:s13], $0x80  }
0x34: {  	[sflag:s13] =	ssyncset.done $0x0  }
0x35: {  	[sflag:s13] =	ssyncadd.s32 $0xFFFFFF80  }
0x36: {  	[tilespmem:s15], [sflag:$0x1] =	stream.indirect.gather [hbm4b:s5+s14], $0x80, s3, s14, $0xb8;
	[tilespmem:$0x17D00] =	vst v63  }
0x37: {  	_ =	swait.ge [sflag:s16], $0x4000  }
0x38: {  	[sflag:s16] =	ssyncset.done $0x0  }
0x39: {  	[sflag:s16] =	ssyncadd.s32 $0xFFFFC000  }
0x3a: {  	[spmem:s2] =	stream.indirect.scatter.add.f32 [tilespmem:s15], [sflag:$0x2], $0x80, s14, s14, $0xb8;
	[tilespmem:$0x17D00] =	vst v63  }
0x3b: {  	_ =	swait.ge [sflag:s13], $0x4000  }
0x3c: {  	s18 =	simm.s32 $0x100;
	s19 =	simm.s32 $0x200;
	[sflag:s13] =	ssyncset.done $0x0  }
.LBB2_6:
0x3d: {  	s20 =	sadd.s32 s18, s10  }
0x3e: {  	[sflag:s13] =	ssyncadd.s32 $0xFFFFC000;
	s21 =	smov.u32 s19;
	s22 =	sadd.s32 $0x100, s19  }
0x3f: {  	[tilespmem:s3], [sflag:$0x2] =	stream.linear.gather [hbm4b:s20+s3], $0x80, $0x38;
	[tilespmem:$0x17D00] =	vst v63  }
0x40: {  	p1 =	sne.s32 s19, $0x4F00;
	_ =	swait.ge [sflag:s13], $0x80  }
0x41: {  	[sflag:s13] =	ssyncset.done $0x0  }
0x42: {  	s19 =	sadd.s32 s18, s11;
	s18 =	smov.u32 s21;
	[sflag:s13] =	ssyncadd.s32 $0xFFFFFF80  }
0x43: {  	[tilespmem:s14], [sflag:$0x2] =	stream.linear.gather [hbm4b:s19+s3], $0x80, $0x38;
	[tilespmem:$0x17D00] =	vst v63  }
0x44: {  	_ =	swait.ge [sflag:s13], $0x80  }
0x45: {  	[sflag:s13] =	ssyncset.done $0x0  }
0x46: {  	[sflag:s13] =	ssyncadd.s32 $0xFFFFFF80  }
0x47: {  	[tilespmem:s15], [sflag:$0x1] =	stream.indirect.gather [hbm4b:s5+s14], $0x80, s3, s14, $0xb8;
	[tilespmem:$0x17D00] =	vst v63  }
0x48: {  	_ =	swait.ge [sflag:s16], $0x4000  }
.Ltmp3:
0x49: {  	[sflag:s16] =	ssyncset.done $0x0;
	(pc) =	sbr.rel @p1 .LBB2_6-.Ltmp3, $4  }
0x4a: {  	[sflag:s16] =	ssyncadd.s32 $0xFFFFC000  }
0x4b: {  	[spmem:s2] =	stream.indirect.scatter.add.f32 [tilespmem:s15], [sflag:$0x2], $0x80, s14, s14, $0xb8;
	[tilespmem:$0x17D00] =	vst v63  }
0x4c: {  	_ =	swait.ge [sflag:s13], $0x4000  }
0x4d: {  	s19 =	smov.u32 s22;
	[sflag:s13] =	ssyncset.done $0x0  }
.Ltmp4:
0x4e: {  	_ = 	snop;
	(pc) =	sbr.rel .LBB2_7-.Ltmp4, $1  }
0x4f: {  	_ =	sdelay $0x3  }
.LBB2_2:
0x50: {  	[tilespmem:s3], [sflag:$0x2] =	stream.linear.gather [hbm4b:s18+s3], $0x80, $0x38;
	[tilespmem:$0x17D00] =	vst v63  }
0x51: {  	_ =	swait.ge [sflag:s13], $0x80  }
0x52: {  	[sflag:s13] =	ssyncset.done $0x0  }
0x53: {  	s31 =	sadd.s32 $0x0, s11;
	[sflag:s13] =	ssyncadd.s32 $0xFFFFFF80  }
0x54: {  	[tilespmem:s14], [sflag:$0x2] =	stream.linear.gather [hbm4b:s31+s3], $0x80, $0x38;
	[tilespmem:$0x17D00] =	vst v63  }
0x55: {  	_ =	swait.ge [sflag:s13], $0x80  }
0x56: {  	[sflag:s13] =	ssyncset.done $0x0  }
0x57: {  	[sflag:s13] =	ssyncadd.s32 $0xFFFFFF80  }
0x58: {  	[tilespmem:s15], [sflag:$0x1] =	stream.indirect.gather [hbm4b:s4+s14], $0x80, s3, s14, $0xb8;
	[tilespmem:$0x17D00] =	vst v63  }
0x59: {  	_ =	swait.ge [sflag:s16], $0x4000  }
0x5a: {  	[sflag:s16] =	ssyncset.done $0x0  }
0x5b: {  	[sflag:s16] =	ssyncadd.s32 $0xFFFFC000  }
0x5c: {  	[spmem:s2] =	stream.indirect.scatter.add.f32 [tilespmem:s15], [sflag:$0x2], $0x80, s14, s14, $0xb8;
	[tilespmem:$0x17D00] =	vst v63  }
0x5d: {  	_ =	swait.ge [sflag:s13], $0x4000  }
0x5e: {  	s18 =	simm.s32 $0x100;
	s19 =	simm.s32 $0x200;
	[sflag:s13] =	ssyncset.done $0x0  }
.LBB2_3:
0x5f: {  	s20 =	sadd.s32 s18, s10  }
0x60: {  	[sflag:s13] =	ssyncadd.s32 $0xFFFFC000;
	s21 =	smov.u32 s19;
	s22 =	sadd.s32 $0x100, s19  }
0x61: {  	[tilespmem:s3], [sflag:$0x2] =	stream.linear.gather [hbm4b:s20+s3], $0x80, $0x38;
	[tilespmem:$0x17D00] =	vst v63  }
0x62: {  	p1 =	seq.s32 s19, $0x4F00;
	_ =	swait.ge [sflag:s13], $0x80  }
0x63: {  	[sflag:s13] =	ssyncset.done $0x0  }
0x64: {  	s19 =	sadd.s32 s18, s11;
	s18 =	smov.u32 s21;
	[sflag:s13] =	ssyncadd.s32 $0xFFFFFF80  }
0x65: {  	[tilespmem:s14], [sflag:$0x2] =	stream.linear.gather [hbm4b:s19+s3], $0x80, $0x38;
	[tilespmem:$0x17D00] =	vst v63  }
0x66: {  	_ =	swait.ge [sflag:s13], $0x80  }
0x67: {  	[sflag:s13] =	ssyncset.done $0x0  }
0x68: {  	[sflag:s13] =	ssyncadd.s32 $0xFFFFFF80  }
0x69: {  	[tilespmem:s15], [sflag:$0x1] =	stream.indirect.gather [hbm4b:s4+s14], $0x80, s3, s14, $0xb8;
	[tilespmem:$0x17D00] =	vst v63  }
0x6a: {  	_ =	swait.ge [sflag:s16], $0x4000  }
.Ltmp5:
0x6b: {  	[sflag:s16] =	ssyncset.done $0x0;
	(pc) =	sbr.rel @!p1 .LBB2_3-.Ltmp5, $4  }
0x6c: {  	[sflag:s16] =	ssyncadd.s32 $0xFFFFC000  }
0x6d: {  	[spmem:s2] =	stream.indirect.scatter.add.f32 [tilespmem:s15], [sflag:$0x2], $0x80, s14, s14, $0xb8;
	[tilespmem:$0x17D00] =	vst v63  }
0x6e: {  	_ =	swait.ge [sflag:s13], $0x4000  }
0x6f: {  	s19 =	smov.u32 s22;
	[sflag:s13] =	ssyncset.done $0x0  }
0x70: {  	s19 =	sadd.s32 s18, s10;
	[sflag:s13] =	ssyncadd.s32 $0xFFFFC000  }
0x71: {  	[tilespmem:s3], [sflag:$0x2] =	stream.linear.gather [hbm4b:s19+s3], $0x80, $0x38;
	[tilespmem:$0x17D00] =	vst v63  }
0x72: {  	_ =	swait.ge [sflag:s13], $0x80  }
0x73: {  	[sflag:s13] =	ssyncset.done $0x0  }
0x74: {  	s31 =	sadd.s32 s18, s11;
	[sflag:s13] =	ssyncadd.s32 $0xFFFFFF80  }
0x75: {  	[tilespmem:s14], [sflag:$0x2] =	stream.linear.gather [hbm4b:s31+s3], $0x80, $0x38;
	[tilespmem:$0x17D00] =	vst v63  }
0x76: {  	_ =	swait.ge [sflag:s13], $0x80  }
0x77: {  	[sflag:s13] =	ssyncset.done $0x0  }
0x78: {  	[sflag:s13] =	ssyncadd.s32 $0xFFFFFF80  }
0x79: {  	[tilespmem:s15], [sflag:$0x1] =	stream.indirect.gather [hbm4b:s4+s14], $0x80, s3, s14, $0xb8;
	[tilespmem:$0x17D00] =	vst v63  }
0x7a: {  	_ =	swait.ge [sflag:s16], $0x4000  }
0x7b: {  	[sflag:s16] =	ssyncset.done $0x0  }
.Ltmp6:
0x7c: {  	[sflag:s16] =	ssyncadd.s32 $0xFFFFC000;
	(pc) =	sbr.rel .LBB2_8-.Ltmp6, $4  }
0x7d: {  	[spmem:s2] =	stream.indirect.scatter.add.f32 [tilespmem:s15], [sflag:$0x2], $0x80, s14, s14, $0xb8;
	[tilespmem:$0x17D00] =	vst v63  }
0x7e: {  	_ =	swait.ge [sflag:s13], $0x4000  }
0x7f: {  	[sflag:s13] =	ssyncset.done $0x0  }
0x80: {  	[sflag:s13] =	ssyncadd.s32 $0xFFFFC000  }
.LBB2_9:
0x81: {  	_ =	sfence.sel $0x180000  }
0x82: {  	[bflag:$0x0] =	sbarrier.arrive $0xFFFF  }
0x83: {  	p0 =	sne.s32 s1, $0x0;
	_ =	strace $0x9000004D  }
0x84: {  	s0 =	sadd.s32 @!p0 $0x100000, s0;
	[bflag:$0x2] =	sbarrier.arrive $0xFFFF  }
0x85: {  	[sflag:s0] =	ssyncadd.tile.s32 @!p0 $0x1;
	_ =	shalt  }
.Lfunc_end2:
_tile_overlayer_lowered:
.L_overlay_start_2:
0x86: {  	(tag) =	ssettag $0x2  }
0x87: {  	s0 =	rddreg [dreg:$0x0];
	s2 =	stileid.u32  }
0x88: {  	s1 =	rddreg [dreg:$0x1];
	p0 =	sne.s32 s2, $0x0  }
0x89: {  	s3 =	rddreg [dreg:$0x2];
	[bflag:$0x3] =	sbarrier.arrive $0xFFFF;
	s2 =	simm.s32 @!p0 $0x1C02  }
0x8a: {  	[timem:s3], [sflag:s2] =	dma.local @!p0 [hbm:s0], s1  }
0x8b: {  	s0 =	simm.s32 @!p0 $0x2  }
0x8c: {  	_ =	swait.ge @!p0 [sflag:s0], s1  }
0x8d: {  	s1 =	ssub.s32 @!p0 $0x0, s1;
	[sflag:s0] =	ssyncset.done @!p0 $0x0  }
0x8e: {  	[sflag:s0] =	ssyncadd.s32 @!p0 s1  }
0x8f: {  	[bflag:$0x3] =	sbarrier.arrive $0xFFFF  }
0x90: {  	_ =	shalt  }

// kernel: kernel.20.cloned.1.call-start
scs
__scs_entry_jumppad:
0x0: {  	(pc) =	sbr.rel $0x88, $3  }
0x1: {  	(tag) =	ssettag $0x0;
	lr =	simm.s32 $0x1  }
0x2: {  	[smem:$0x3F94] =	sst lr;
	_ =	strace $0xD0000000  }
0x3: {  	_ = 	snop  }
0x4: {  	_ = 	snop  }
0x5: {  	_ = 	snop  }
0x6: {  	_ = 	snop  }
0x7: {  	_ = 	snop  }
__scs_overlays_trampoline_lowered:
0x8: {  	[smem:$0x3FA3] =	sst s0  }
0x9: {  	[smem:$0x3FA4] =	sst s1  }
0xa: {  	[smem:$0x3FA5] =	sst s2  }
0xb: {  	[smem:$0x3FA6] =	sst s3  }
0xc: {  	[smem:$0x3FA7] =	sst s4  }
0xd: {  	[smem:$0x3FA8] =	sst s5  }
0xe: {  	[smem:$0x3FA9] =	sst s6  }
0xf: {  	[smem:$0x3FAA] =	sst s7  }
0x10: {  	[smem:$0x3FAB] =	sst s8  }
0x11: {  	[smem:$0x3FAC] =	sst s9;
	s0 =	simm.s32 @!p0 $0x0  }
0x12: {  	s1 =	sld [smem:$0x3F92];
	s0 =	simm.s32 @p0 $0x1  }
0x13: {  	[smem:$0x3FAD] =	sst s0;
	s0 =	simm.s32 @!p1 $0x0  }
0x14: {  	s2 =	sld [smem:$0x3F91];
	s0 =	simm.s32 @p1 $0x1  }
0x15: {  	[smem:$0x3FAE] =	sst s0;
	s0 =	simm.s32 @!p2 $0x0  }
0x16: {  	s3 =	sld [smem:$0x3FDB];
	s0 =	simm.s32 @p2 $0x1  }
0x17: {  	s4 =	simm.s32 $0x1BF5;
	[smem:$0x3FB0] =	sst s0  }
0x18: {  	s0 =	sld [smem:$0x3F93];
	_ =	swait.ge [sflag:s4], $0x0  }
0x19: {  	s7 =	sld [smem:$0x3F94]  }
0x1a: {  	s8 =	sadd.s32 $0xFFFFE003, lr  }
0x1b: {  	s9 =	sadd.s32 $0xFFFFFEF7, lr;
	s5 =	simm.s32 $0xFFFFFFFF;
	p2 =	slt.u32 s8, $0xFFFFF086  }
0x1c: {  	p1 =	slt.u32 s9, $0xF7A;
	s5 =	simm.s32 @!p2 $0x0  }
0x1d: {  	s5 =	simm.s32 @p1 $0x1;
	p0 =	seq.s32 s7, s2  }
0x1e: {  	s7 =	smul.u32 @!p0 $0xF7A, s2;
	p2 =	seq.s32 @!p0 s5, $0x0  }
0x1f: {  	s9 =	smul.u32 $0xF7A, s1;
	s8 =	simm.s32 @!p0 $0x1BF5;
	p2 =	por !p2, p0  }
0x20: {  	[sflag:s8] =	ssyncset.s32 @!p0 $0xFFFFF086;
	s6 =	sadd.s32 @!p0 s3, s7;
	s7 =	simm.s32 @!p0 $0x108  }
0x21: {  	s3 =	sadd.s32 s3, s9;
	s6 =	sadd.s32 @!p0 $0x88, s6;
	s7 =	simm.s32 @p2 $0x1082  }
0x22: {  	[simem:s7], [sflag:s8] =	dma.local @!p0 [hbm:s6], $0xF7A  }
0x23: {  	s9 =	sor.u32 $0xD0000000, s2;
	s6 =	simm.s32 $0x108;
	_ =	swait.ge @!p0 [sflag:s8], $0x0  }
0x24: {  	s3 =	sadd.s32 $0x88, s3;
	s6 =	simm.s32 @!p1 $0x1082;
	[sflag:s4] =	ssyncset.s32 $0xFFFFF086  }
0x25: {  	[simem:s6], [sflag:s4] =	dma.local [hbm:s3], $0xF7A  }
0x26: {  	[smem:$0x3F94] =	sst s1;
	(tag) =	ssettag s2;
	_ =	strace s9  }
0x27: {  	s1 =	sld [smem:$0x3FA4]  }
0x28: {  	s2 =	sld [smem:$0x3FA5]  }
0x29: {  	s4 =	sld [smem:$0x3FA7]  }
0x2a: {  	p0 =	seq.s32 s5, $0x0;
	s5 =	sld [smem:$0x3FA8]  }
0x2b: {  	s6 =	sld [smem:$0x3FA9]  }
0x2c: {  	s7 =	sld [smem:$0x3FAA]  }
0x2d: {  	s3 =	simm.s32 $0x108;
	s8 =	sld [smem:$0x3FAB]  }
0x2e: {  	s3 =	simm.s32 @!p0 $0x1082;
	s9 =	sld [smem:$0x3FAC]  }
0x2f: {  	lr =	sadd.s32 s0, s3;
	s0 =	sld [smem:$0x3FA3]  }
0x30: {  	s3 =	sld [smem:$0x3FA6]  }
0x31: {  	[smem:$0x3FAF] =	sst s10  }
0x32: {  	s10 =	sld [smem:$0x3FAD];
	_ =	sdelay $0x3  }
0x33: {  	p0 =	seq.s32 s10, $0x1;
	s10 =	sld [smem:$0x3FAF];
	_ =	sdelay $0x3  }
0x34: {  	[smem:$0x3FAF] =	sst s10  }
0x35: {  	s10 =	sld [smem:$0x3FAE];
	_ =	sdelay $0x3  }
0x36: {  	p1 =	seq.s32 s10, $0x1;
	s10 =	sld [smem:$0x3FAF];
	_ =	sdelay $0x3  }
0x37: {  	[smem:$0x3FAF] =	sst s10  }
0x38: {  	s10 =	sld [smem:$0x3FB0]  }
0x39: {  	_ = 	snop;
	(pc) =	sbr.ind lr, $3  }
0x3a: {  	_ = 	snop  }
0x3b: {  	_ = 	snop  }
0x3c: {  	p2 =	seq.s32 s10, $0x1;
	s10 =	sld [smem:$0x3FAF]  }
0x3d: {  	_ =	shalt  }
0x3e: {  	_ =	shalt  }
0x3f: {  	_ =	shalt  }
0x40: {  	_ =	shalt  }
0x41: {  	_ =	shalt  }
0x42: {  	_ =	shalt  }
0x43: {  	_ =	shalt  }
0x44: {  	_ =	shalt  }
0x45: {  	_ =	shalt  }
0x46: {  	_ =	shalt  }
0x47: {  	_ =	shalt  }
0x48: {  	_ =	shalt  }
0x49: {  	_ =	shalt  }
0x4a: {  	_ =	shalt  }
0x4b: {  	_ =	shalt  }
0x4c: {  	_ =	shalt  }
0x4d: {  	_ =	shalt  }
0x4e: {  	_ =	shalt  }
0x4f: {  	_ =	shalt  }
0x50: {  	_ =	shalt  }
0x51: {  	_ =	shalt  }
0x52: {  	_ =	shalt  }
0x53: {  	_ =	shalt  }
0x54: {  	_ =	shalt  }
0x55: {  	_ =	shalt  }
0x56: {  	_ =	shalt  }
0x57: {  	_ =	shalt  }
0x58: {  	_ =	shalt  }
0x59: {  	_ =	shalt  }
0x5a: {  	_ =	shalt  }
0x5b: {  	_ =	shalt  }
0x5c: {  	_ =	shalt  }
0x5d: {  	_ =	shalt  }
0x5e: {  	_ =	shalt  }
0x5f: {  	_ =	shalt  }
0x60: {  	_ =	shalt  }
0x61: {  	_ =	shalt  }
0x62: {  	_ =	shalt  }
0x63: {  	_ =	shalt  }
0x64: {  	_ =	shalt  }
0x65: {  	_ =	shalt  }
0x66: {  	_ =	shalt  }
0x67: {  	_ =	shalt  }
0x68: {  	_ =	shalt  }
0x69: {  	_ =	shalt  }
0x6a: {  	_ =	shalt  }
0x6b: {  	_ =	shalt  }
0x6c: {  	_ =	shalt  }
0x6d: {  	_ =	shalt  }
0x6e: {  	_ =	shalt  }
0x6f: {  	_ =	shalt  }
0x70: {  	_ =	shalt  }
0x71: {  	_ =	shalt  }
0x72: {  	_ =	shalt  }
0x73: {  	_ =	shalt  }
0x74: {  	_ =	shalt  }
0x75: {  	_ =	shalt  }
0x76: {  	_ =	shalt  }
0x77: {  	_ =	shalt  }
0x78: {  	_ =	shalt  }
0x79: {  	_ =	shalt  }
0x7a: {  	_ =	shalt  }
0x7b: {  	_ =	shalt  }
0x7c: {  	_ =	shalt  }
0x7d: {  	_ =	shalt  }
0x7e: {  	_ =	shalt  }
0x7f: {  	_ =	shalt  }
0x80: {  	_ =	shalt  }
0x81: {  	_ =	shalt  }
0x82: {  	_ =	shalt  }
0x83: {  	_ =	shalt  }
0x84: {  	_ =	shalt  }
0x85: {  	_ =	shalt  }
0x86: {  	_ =	shalt  }
0x87: {  	_ =	shalt  }
.Lfunc_end0:
.L_simem_size_0:
called_computation.3_lowered:
.L_overlay_start_0:
0x88: {  	s2 =	sld [smem:$0x3FD9]  }
0x89: {  	s3 =	sld [smem:$0x3FFE];
	_ =	sdelay $0x1  }
0x8a: {  	s1 =	srdreg.scid  }
0x8b: {  	s0 =	sand.u32 $0x1, s1  }
0x8c: {  	s16 =	sshll.u32 s0, $0xA;
	s2 =	sadd.s32 s3, s2  }
0x8d: {  	s2 =	sadd.s32 s2, s16  }
0x8e: {  	[smem:$0x3FBB] =	sst s2  }
0x8f: {  	_ = 	snop  }
0x90: {  	(tm) =	ssettm $0x1  }
0x91: {  	s17 =	sld [smem:$0x3FFB];
	_ =	sdelay $0x3  }
0x92: {  	_ =	strace s17  }
0x93: {  	s2 =	sld [smem:$0x3FFC];
	_ =	sdelay $0x3  }
0x94: {  	_ =	strace s2  }
0x95: {  	s2 =	sld [smem:$0x3FFD];
	_ =	sdelay $0x3  }
0x96: {  	_ =	strace s2  }
0x97: {  	_ =	strace $0x8FFFFFFF  }
0x98: {  	s18 =	sld [smem:$0x3FDB];
	_ =	sdelay $0x1  }
0x99: {  	s19 =	simm.s32 $_scs_section_size  }
0x9a: {  	s4 =	simm.s32 $_size__tile_overlayer_lowered;
	s5 =	simm.s32 $_tile_overlayer_lowered  }
0x9b: {  	s22 =	simm.s32 $0x1BFF;
	s21 =	sshll.u32 s5, $0x1;
	s2 =	sadd.s32 s19, s18  }
0x9c: {  	s6 =	simm.s32 $0x0;
	s20 =	sshll.u32 s4, $0x1;
	s4 =	sadd.s32 s21, s2  }
0x9d: {  	[timem:s6], [sflag:s22] =	dma.local [hbm:s4], s20  }
0x9e: {  	_ =	swait.ge [sflag:s22], s20  }
0x9f: {  	s3 =	ssub.s32 $0x0, s20;
	[sflag:s22] =	ssyncset.done $0x0  }
0xa0: {  	[sflag:s22] =	ssyncadd.s32 s3;
	_ =	sdelay $0x1  }
0xa1: {  	s23 =	simm.s32 $0x1B8B  }
0xa2: {  	_ =	swait.ge [sflag:s23], $0x1  }
0xa3: {  	[sflag:s23] =	ssyncset.done $0x0  }
0xa4: {  	s25 =	simm.s32 $0x1B8E;
	s24 =	sld [smem:$0x3FFE];
	[sflag:s23] =	ssyncadd.s32 $0xFFFFFFFF  }
0xa5: {  	s26 =	simm.s32 $execute0_lowered;
	[smem:$0x3FD2] =	sst s25  }
0xa6: {  	s4 =	sshll.u32 s26, $0x1;
	_ =	strace $0x8000004F;
	[dreg:$0x1] =	wrdreg $0xFFFFFFFF  }
0xa7: {  	s28 =	simm.s32 $_size_execute0_lowered;
	s2 =	sadd.s32 s2, s4;
	[dreg:$0x0] =	wrdreg $0x0  }
0xa8: {  	s4 =	sshll.u32 s28, $0x1;
	[dreg:$0x2] =	wrdreg s2  }
0xa9: {  	[dreg:$0x3] =	wrdreg s4  }
0xaa: {  	[dreg:$0x4] =	wrdreg $0xC0  }
0xab: {  	_ =	task [dreg:s6], $0x5FFFF  }
0xac: {  	[dreg:$0x1] =	wrdreg $0xFFFFFFFF  }
0xad: {  	[dreg:$0x0] =	wrdreg $0x60  }
0xae: {  	[dreg:$0x2] =	wrdreg s24  }
0xaf: {  	[dreg:$0x3] =	wrdreg $0x9  }
0xb0: {  	_ =	task.clear_ibuf [dreg:s6], $0x4FFFF;
	_ =	strace $0x9000004F  }
0xb1: {  	s29 =	simm.s32 $0x9;
	_ =	strace $0x80000051  }
0xb2: {  	_ =	swait.ge [sflag:s29], $0x1  }
0xb3: {  	[sflag:s29] =	ssyncadd.s32 $0xFFFFFFFF  }
0xb4: {  	_ =	strace $0x90000051  }
0xb5: {  	_ =	sfence  }
0xb6: {  	s30 =	sld [smem:$0x0];
	_ =	sdelay $0x2  }
0xb7: {  	s31 =	sshll.u32 s1, $0xD;
	s1 =	sshrl.u32 s1, $0x2  }
0xb8: {  	s3 =	sand.u32 $0x4000, s31;
	s1 =	sadd.s32 s1, s30  }
0xb9: {  	s0 =	sor.u32 s3, s0;
	s1 =	sshll.u32 s1, $0x11  }
0xba: {  	s0 =	sor.u32 s1, s0  }
0xbb: {  	s0 =	sadd.s32 $0x8F2B, s0  }
0xbc: {  	[sflag:s0] =	ssyncadd.remote.s32 $0x1  }
0xbd: {  	_ =	sfence.sel $0xFFFF  }
0xbe: {  	[dreg:$0x0] =	wrdreg $0xFFFFFFFF;
	(pc) =	sbr.abs _section_cstart, $3  }
0xbf: {  	[dreg:$0x1] =	wrdreg $0xFFFFFFFF  }
0xc0: {  	_ =	task.clear_ibuf [dreg:s6], $0x2FFFF;
	_ =	strace $0x9FFFFFFF  }
0xc1: {  	(tm) =	ssettm $0x7FFFFFFF  }
tec
execute0_lowered:
.L_overlay_start_1:
0x0: {  	(tag) =	ssettag $0x1  }
0x1: {  	s1 =	srdreg.scid;
	s0 =	stileid.u32  }
0x2: {  	s5 =	rddreg [dreg:$0x0];
	s2 =	simm.s32 $0x0;
	s10 =	simm.s32 $0x2  }
0x3: {  	s11 =	simm.s32 $0x80;
	s12 =	simm.s32 $0x100;
	s13 =	simm.s32 $0x1  }
0x4: {  	s14 =	simm.s32 $0x0;
	s4 =	sand.u32 $0x1, s1;
	s1 =	rddreg [dreg:$0x1]  }
0x5: {  	s6 =	sshll.u32 s0, $0x7;
	[smem:$0x7FF] =	sst s2;
	s31 =	sshll.u32 s0, $0xB  }
0x6: {  	s3 =	sshll.u32 s4, $0xB;
	_ =	strace $0x80000050;
	s30 =	ssub.s32 $0x2, s4  }
0x7: {  	s4 =	sshll.u32 s4, $0xF;
	s3 =	sor.u32 s6, s3;
	s8 =	sshrl.u32 s30, $0x1  }
0x8: {  	s9 =	sadd.s32 s4, s5;
	s4 =	sadd.s32 $0x2B400, s5;
	s3 =	sshrl.u32 s3, $0x3  }
0x9: {  	s6 =	ssub.s32 s30, s8;
	s9 =	sadd.s32 s31, s9;
	s7 =	sadd.s32 s3, s5  }
0xa: {  	s3 =	sadd.s32 $0x4200, s5;
	s5 =	smax.u32 s6, $0x1;
	s8 =	sadd.s32 $0x89A00, s9  }
0xb: {  	s9 =	sadd.s32 $0x309A00, s9;
	s6 =	sadd.s32 $0x7FA00, s7;
	s7 =	sadd.s32 $0x84A00, s7  }
.LBB2_1:
0xc: {  	s15 =	sadd.s32 $0x0, s7  }
0xd: {  	[tilespmem:s2], [sflag:$0x2] =	stream.linear.gather [hbm4b:s15+s2], $0x80, $0x38;
	[tilespmem:$0x4100] =	vst v63  }
0xe: {  	_ =	swait.ge [sflag:s10], $0x80  }
0xf: {  	[sflag:s10] =	ssyncset.done $0x0  }
0x10: {  	s31 =	sadd.s32 $0x0, s6;
	[sflag:s10] =	ssyncadd.s32 $0xFFFFFF80  }
0x11: {  	[tilespmem:s11], [sflag:$0x2] =	stream.linear.gather [hbm4b:s31+s2], $0x80, $0x38;
	[tilespmem:$0x4100] =	vst v63  }
0x12: {  	_ =	swait.ge [sflag:s10], $0x80  }
0x13: {  	[sflag:s10] =	ssyncset.done $0x0  }
0x14: {  	[sflag:s10] =	ssyncadd.s32 $0xFFFFFF80  }
0x15: {  	[tilespmem:s12], [sflag:$0x1] =	stream.indirect.gather [hbm4b:s3+s11], $0x80, s2, s11, $0xb8;
	[tilespmem:$0x4100] =	vst v63  }
0x16: {  	_ =	swait.ge [sflag:s13], $0x4000  }
0x17: {  	[sflag:s13] =	ssyncset.done $0x0  }
0x18: {  	[sflag:s13] =	ssyncadd.s32 $0xFFFFC000  }
0x19: {  	[hbm4b:s8+s2] =	stream.linear.scatter [tilespmem:s12], [sflag:$0x2], $0x4000, $0x38;
	[tilespmem:$0x4100] =	vst v63  }
0x1a: {  	_ =	swait.ge [sflag:s10], $0x4000  }
0x1b: {  	[sflag:s10] =	ssyncset.done $0x0  }
0x1c: {  	[sflag:s10] =	ssyncadd.s32 $0xFFFFC000  }
0x1d: {  	[tilespmem:s12], [sflag:$0x1] =	stream.indirect.gather [hbm4b:s4+s11], $0x80, s11, s11, $0xb8;
	[tilespmem:$0x4100] =	vst v63  }
0x1e: {  	_ =	swait.ge [sflag:s13], $0x4000  }
0x1f: {  	[sflag:s13] =	ssyncset.done $0x0  }
0x20: {  	[sflag:s13] =	ssyncadd.s32 $0xFFFFC000  }
0x21: {  	[hbm4b:s9+s2] =	stream.linear.scatter [tilespmem:s12], [sflag:$0x2], $0x4000, $0x38;
	[tilespmem:$0x4100] =	vst v63  }
0x22: {  	s17 =	simm.s32 $0x200;
	s18 =	simm.s32 $0x400;
	_ =	swait.ge [sflag:s10], $0x4000  }
0x23: {  	s16 =	sadd.s32 $0x10000, s8;
	s15 =	sadd.s32 $0x10000, s9;
	[sflag:s10] =	ssyncset.done $0x0  }
.LBB2_2:
0x24: {  	s19 =	sadd.s32 s17, s7  }
0x25: {  	[sflag:s10] =	ssyncadd.s32 $0xFFFFC000;
	s20 =	smov.u32 s18;
	s21 =	sadd.s32 $0x200, s18  }
0x26: {  	[tilespmem:s2], [sflag:$0x2] =	stream.linear.gather [hbm4b:s19+s2], $0x80, $0x38;
	[tilespmem:$0x4100] =	vst v63  }
0x27: {  	p0 =	sne.s32 s18, $0x4E00;
	_ =	swait.ge [sflag:s10], $0x80  }
0x28: {  	[sflag:s10] =	ssyncset.done $0x0  }
0x29: {  	s18 =	sadd.s32 s17, s6;
	s17 =	smov.u32 s20;
	[sflag:s10] =	ssyncadd.s32 $0xFFFFFF80  }
0x2a: {  	[tilespmem:s11], [sflag:$0x2] =	stream.linear.gather [hbm4b:s18+s2], $0x80, $0x38;
	[tilespmem:$0x4100] =	vst v63  }
0x2b: {  	_ =	swait.ge [sflag:s10], $0x80  }
0x2c: {  	[sflag:s10] =	ssyncset.done $0x0  }
0x2d: {  	[sflag:s10] =	ssyncadd.s32 $0xFFFFFF80  }
0x2e: {  	[tilespmem:s12], [sflag:$0x1] =	stream.indirect.gather [hbm4b:s3+s11], $0x80, s2, s11, $0xb8;
	[tilespmem:$0x4100] =	vst v63  }
0x2f: {  	_ =	swait.ge [sflag:s13], $0x4000  }
0x30: {  	[sflag:s13] =	ssyncset.done $0x0  }
0x31: {  	[sflag:s13] =	ssyncadd.s32 $0xFFFFC000  }
0x32: {  	[hbm4b:s16+s2] =	stream.linear.scatter [tilespmem:s12], [sflag:$0x2], $0x4000, $0x38;
	[tilespmem:$0x4100] =	vst v63  }
0x33: {  	_ =	swait.ge [sflag:s10], $0x4000  }
0x34: {  	[sflag:s10] =	ssyncset.done $0x0  }
0x35: {  	[sflag:s10] =	ssyncadd.s32 $0xFFFFC000  }
0x36: {  	[tilespmem:s12], [sflag:$0x1] =	stream.indirect.gather [hbm4b:s4+s11], $0x80, s11, s11, $0xb8;
	[tilespmem:$0x4100] =	vst v63  }
0x37: {  	_ =	swait.ge [sflag:s13], $0x4000  }
.Ltmp0:
0x38: {  	[sflag:s13] =	ssyncset.done $0x0;
	(pc) =	sbr.rel @p0 .LBB2_2-.Ltmp0, $4  }
0x39: {  	[sflag:s13] =	ssyncadd.s32 $0xFFFFC000  }
0x3a: {  	[hbm4b:s15+s2] =	stream.linear.scatter [tilespmem:s12], [sflag:$0x2], $0x4000, $0x38;
	[tilespmem:$0x4100] =	vst v63  }
0x3b: {  	s18 =	smov.u32 s21;
	_ =	swait.ge [sflag:s10], $0x4000  }
0x3c: {  	s16 =	sadd.s32 $0x10000, s16;
	s15 =	sadd.s32 $0x10000, s15;
	[sflag:s10] =	ssyncset.done $0x0  }
0x3d: {  	s18 =	sadd.s32 s17, s7;
	[sflag:s10] =	ssyncadd.s32 $0xFFFFC000  }
0x3e: {  	[tilespmem:s2], [sflag:$0x2] =	stream.linear.gather [hbm4b:s18+s2], $0x80, $0x38;
	[tilespmem:$0x4100] =	vst v63  }
0x3f: {  	_ =	swait.ge [sflag:s10], $0x80  }
0x40: {  	[sflag:s10] =	ssyncset.done $0x0  }
0x41: {  	s31 =	sadd.s32 s17, s6;
	[sflag:s10] =	ssyncadd.s32 $0xFFFFFF80  }
0x42: {  	[tilespmem:s11], [sflag:$0x2] =	stream.linear.gather [hbm4b:s31+s2], $0x80, $0x38;
	[tilespmem:$0x4100] =	vst v63  }
0x43: {  	_ =	swait.ge [sflag:s10], $0x80  }
0x44: {  	[sflag:s10] =	ssyncset.done $0x0  }
0x45: {  	[sflag:s10] =	ssyncadd.s32 $0xFFFFFF80  }
0x46: {  	[tilespmem:s12], [sflag:$0x1] =	stream.indirect.gather [hbm4b:s3+s11], $0x80, s2, s11, $0xb8;
	[tilespmem:$0x4100] =	vst v63  }
0x47: {  	_ =	swait.ge [sflag:s13], $0x4000  }
0x48: {  	[sflag:s13] =	ssyncset.done $0x0  }
0x49: {  	[sflag:s13] =	ssyncadd.s32 $0xFFFFC000  }
0x4a: {  	[hbm4b:s16+s2] =	stream.linear.scatter [tilespmem:s12], [sflag:$0x2], $0x4000, $0x38;
	[tilespmem:$0x4100] =	vst v63  }
0x4b: {  	_ =	swait.ge [sflag:s10], $0x4000  }
0x4c: {  	[sflag:s10] =	ssyncset.done $0x0  }
0x4d: {  	[sflag:s10] =	ssyncadd.s32 $0xFFFFC000  }
0x4e: {  	[tilespmem:s12], [sflag:$0x1] =	stream.indirect.gather [hbm4b:s4+s11], $0x80, s11, s11, $0xb8;
	[tilespmem:$0x4100] =	vst v63  }
0x4f: {  	s14 =	sadd.s32 $0x1, s14;
	_ =	swait.ge [sflag:s13], $0x4000  }
0x50: {  	p0 =	sne.s32 s14, s5;
	[sflag:s13] =	ssyncset.done $0x0  }
.Ltmp1:
0x51: {  	[sflag:s13] =	ssyncadd.s32 $0xFFFFC000;
	(pc) =	sbr.rel @p0 .LBB2_1-.Ltmp1, $4  }
0x52: {  	[hbm4b:s15+s2] =	stream.linear.scatter [tilespmem:s12], [sflag:$0x2], $0x4000, $0x38;
	[tilespmem:$0x4100] =	vst v63  }
0x53: {  	_ =	swait.ge [sflag:s10], $0x4000  }
0x54: {  	[sflag:s10] =	ssyncset.done $0x0  }
0x55: {  	[sflag:s10] =	ssyncadd.s32 $0xFFFFC000  }
0x56: {  	_ =	sfence.sel $0x180000  }
0x57: {  	[bflag:$0x0] =	sbarrier.arrive $0xFFFF  }
0x58: {  	p0 =	sne.s32 s0, $0x0;
	_ =	strace $0x90000050  }
0x59: {  	s0 =	sadd.s32 @!p0 $0x100000, s1;
	[bflag:$0x2] =	sbarrier.arrive $0xFFFF  }
0x5a: {  	[sflag:s0] =	ssyncadd.tile.s32 @!p0 $0x1;
	_ =	shalt  }
.Lfunc_end2:
_tile_overlayer_lowered:
.L_overlay_start_2:
0x5b: {  	(tag) =	ssettag $0x2  }
0x5c: {  	s0 =	rddreg [dreg:$0x0];
	s2 =	stileid.u32  }
0x5d: {  	s1 =	rddreg [dreg:$0x1];
	p0 =	sne.s32 s2, $0x0  }
0x5e: {  	s3 =	rddreg [dreg:$0x2];
	[bflag:$0x3] =	sbarrier.arrive $0xFFFF;
	s2 =	simm.s32 @!p0 $0x1C02  }
0x5f: {  	[timem:s3], [sflag:s2] =	dma.local @!p0 [hbm:s0], s1  }
0x60: {  	s0 =	simm.s32 @!p0 $0x2  }
0x61: {  	_ =	swait.ge @!p0 [sflag:s0], s1  }
0x62: {  	s1 =	ssub.s32 @!p0 $0x0, s1;
	[sflag:s0] =	ssyncset.done @!p0 $0x0  }
0x63: {  	[sflag:s0] =	ssyncadd.s32 @!p0 s1  }
0x64: {  	[bflag:$0x3] =	sbarrier.arrive $0xFFFF  }
0x65: {  	_ =	shalt  }

</sc_bundles>
